<compile_context>
chip_gen: v7x
topology: tpu7x:2x2x1
jax: 0.10.2.dev20260603
libtpu: 0.0.44.dev20260713+nightly
codegen_flags: <defaults>
</compile_context>

<pallas_src>
import functools

import jax
import jax.numpy as jnp
from jax import lax
from jax.experimental import pallas as pl
from jax.experimental.pallas import tpu as pltpu
from jax.experimental.pallas import tpu_sc as plsc


_N_TOK = 9216
_B, _T = 16, 576
_BB = 16
_BLK = _BB * _T
_GRID = _B // _BB
_K = 1024
_D = 64


def _argmin_body(zt_ref, cb_ref, w_ref, b_ref, idx_ref, cw_ref):
    cb = cb_ref[...]
    cn = jnp.sum(cb * cb, axis=1)[None, :]
    iota_f = lax.broadcasted_iota(jnp.int32, (_T, _K), 1).astype(jnp.float32)
    for i in range(_BB):
        flat = zt_ref[i].T
        s = lax.dot_general(flat, cb, (((1,), (1,)), ((), ())),
                            preferred_element_type=jnp.float32)
        rn = jnp.sum(flat * flat, axis=1, keepdims=True)
        d2 = rn - 2.0 * s + cn
        m = jnp.min(d2, axis=1, keepdims=True)
        idxf = jnp.min(jnp.where(d2 == m, iota_f, float(_K)), axis=1)
        idx_ref[0, i, :] = idxf.astype(jnp.int32)

    @pl.when(pl.program_id(0) == 0)
    def _():
        cw = lax.dot_general(cb, w_ref[...], (((1,), (1,)), ((), ())),
                             preferred_element_type=jnp.float32)
        cw_ref[...] = cw + b_ref[...]


def _tc_argmin(zt, cb, w, b2d):
    return pl.pallas_call(
        _argmin_body,
        grid=(_GRID,),
        in_specs=[
            pl.BlockSpec((_BB, _D, _T), lambda i: (i, 0, 0)),
            pl.BlockSpec((_K, _D), lambda i: (0, 0)),
            pl.BlockSpec((_D, _D), lambda i: (0, 0)),
            pl.BlockSpec((1, _D), lambda i: (0, 0)),
        ],
        out_specs=[
            pl.BlockSpec((1, _BB, _T), lambda i: (i, 0, 0)),
            pl.BlockSpec((_K, _D), lambda i: (0, 0)),
        ],
        out_shape=[
            jax.ShapeDtypeStruct((_GRID, _BB, _T), jnp.int32),
            jax.ShapeDtypeStruct((_K, _D), jnp.float32),
        ],
    )(zt, cb, w, b2d)



_NC, _NS = 2, 16
_NW = _NC * _NS
_CHUNK = 96
_NCHUNK = _N_TOK // (_NW * _CHUNK)
_BPW = _NCHUNK * _CHUNK

_sc_mesh = plsc.VectorSubcoreMesh(core_axis_name="c", subcore_axis_name="s")


@functools.partial(
    pl.kernel,
    out_type=jax.ShapeDtypeStruct((_N_TOK, _D), jnp.float32),
    mesh=_sc_mesh,
    scratch_types=[
        pltpu.VMEM((_NCHUNK, _CHUNK), jnp.int32),
        pltpu.VMEM((_NCHUNK, _CHUNK, _D), jnp.float32),
        pltpu.SemaphoreType.DMA,
    ],
    compiler_params=pltpu.CompilerParams(
        use_tc_tiling_on_sc=False,
        disable_bounds_checks=True,
        disable_semaphore_checks=True,
    ),
)
def _sc_gather(cw_hbm, idx_hbm, out_hbm, idx_v, rows_v, sem):
    wid = lax.axis_index("s") * _NC + lax.axis_index("c")
    base = wid * _BPW
    pltpu.sync_copy(idx_hbm.at[wid], idx_v)
    copies = []
    for j in range(_NCHUNK):
        copies.append(
            pltpu.async_copy(cw_hbm.at[idx_v.at[j]], rows_v.at[j], sem))
    for j, c in enumerate(copies):
        c.wait()
        pltpu.sync_copy(rows_v.at[j],
                        out_hbm.at[pl.ds(base + j * _CHUNK, _CHUNK)])



def kernel(z, codebook, W, b):
    B, T, D = z.shape
    zt = jnp.swapaxes(z, 1, 2)
    idx, cw = _tc_argmin(zt, codebook, W, b.reshape(1, D))
    idx = idx.reshape(_NW, _NCHUNK, _CHUNK)
    q = _sc_gather(cw, idx)
    return q.reshape(B, T, D)

# --- scband reference (transcript-rebuilt; emitter-appended) ---
"""Pipeline reference for scband-residual-vq-45148696216678 (READ-ONLY COPY).

The authoritative reference and input builder live on the scoring server;
editing this copy changes nothing except your own understanding.
"""

import jax, jax.numpy as jnp
import numpy as np


def setup_inputs(seed: int = 0) -> dict:
    key = jax.random.key(seed)
    k1, k2, k3, k4 = jax.random.split(key, 4)
    z = jax.random.normal(k1, (16, 576, 64), dtype=jnp.float32)
    codebook = jax.random.normal(k2, (1024, 64), dtype=jnp.float32) * 0.02
    W = jax.random.normal(k3, (64, 64), dtype=jnp.float32) * 0.02
    b = jnp.zeros((64,), dtype=jnp.float32)
    return {"z": z, "codebook": codebook, "W": W, "b": b}


def reference(z, codebook, W, b):
    # Residual VQ single stage with implicit neural codebook (MLP-transformed codes).
    B, T, D = z.shape
    flat = z.reshape(-1, D)
    # squared L2 distances to every codebook entry
    d2 = (
        jnp.sum(flat * flat, axis=1, keepdims=True)
        - 2.0 * flat @ codebook.T
        + jnp.sum(codebook * codebook, axis=1)[None, :]
    )
    idx = jnp.argmin(d2, axis=1)
    # embedding lookup (gather) -> SparseCore-friendly
    q = jnp.take(codebook, idx, axis=0)
    # implicit neural codebook: MLP applied to selected codes (nn.Linear)
    q = q @ W.T + b
    q = q.reshape(B, T, D)
    return q

if __name__ == "__main__":
    import jax
    _d = setup_inputs()
    print(jax.jit(kernel)(*tuple(_d.values())))

</pallas_src>

<mosaic_0001>
#map = affine_map<(d0, d1) -> (0, 0)>
#map1 = affine_map<(d0, d1) -> (0, 0, 0)>
module attributes {stable_mosaic.version = 14 : i64} {
  func.func @_sc_gather(%arg0: i32, %arg1: i32, %arg2: memref<1024x64xf32, #tpu.memory_space<hbm>>, %arg3: memref<32x3x96xi32, #tpu.memory_space<hbm>>, %arg4: memref<9216x64xf32, #tpu.memory_space<hbm>>, %arg5: memref<3x96xi32, #tpu.memory_space<vmem>>, %arg6: memref<3x96x64xf32, #tpu.memory_space<vmem>>, %arg7: memref<!tpu.dma_semaphore, #tpu.memory_space<semaphore_mem>>) attributes {dimension_semantics = [#tpu.dimension_semantics<core_parallel>, #tpu.dimension_semantics<subcore_parallel>], iteration_bounds = array<i64: 2, 16>, scalar_prefetch = 0 : i64, scratch_operands = 3 : i64, tpu.core_type = #tpu.core_type<sc_vector_subcore>, window_params = [{transform_indices = #map}, {transform_indices = #map1}, {transform_indices = #map}]} {
    %mul3A = arith.constant 2 : i32
    %mul3A_0 = arith.muli %arg1, %mul3A : i32
    %add3A = arith.addi %mul3A_0, %arg0 : i32
    %mul3A_1 = arith.constant 288 : i32
    %mul3A_2 = arith.muli %add3A, %mul3A_1 : i32
    "tpu.region"() ({
      %run_scoped3A_81 = tpu.sem_alloc : memref<!tpu.dma_semaphore, #tpu.memory_space<semaphore_mem>>
      %dma_start3A_82 = arith.constant 0 : i32
      %dma_start3A_83 = arith.constant 0 : i32
      %dma_start3A_84 = tpu.memref_slice %arg3[%add3A, %dma_start3A_82, %dma_start3A_83] : memref<32x3x96xi32, #tpu.memory_space<hbm>> -> memref<1x3x96xi32, #tpu.memory_space<hbm>>
      %dma_start3A_85 = tpu.memref_squeeze %dma_start3A_84 : memref<1x3x96xi32, #tpu.memory_space<hbm>> -> memref<3x96xi32, #tpu.memory_space<hbm>>
      %dma_start3A_86 = arith.constant 0 : i32
      %dma_start3A_87 = arith.constant 0 : i32
      %dma_start3A_88 = tpu.memref_slice %arg3[%add3A, %dma_start3A_86, %dma_start3A_87] : memref<32x3x96xi32, #tpu.memory_space<hbm>> -> memref<1x3x96xi32, #tpu.memory_space<hbm>>
      %dma_start3A_89 = tpu.memref_squeeze %dma_start3A_88 : memref<1x3x96xi32, #tpu.memory_space<hbm>> -> memref<3x96xi32, #tpu.memory_space<hbm>>
      tpu.enqueue_dma source(%dma_start3A_89 : memref<3x96xi32, #tpu.memory_space<hbm>>) target(%arg5 : memref<3x96xi32, #tpu.memory_space<vmem>>) target_semaphore(%run_scoped3A_81 : memref<!tpu.dma_semaphore, #tpu.memory_space<semaphore_mem>>)
      %dma_wait3A_90 = arith.constant 0 : i32
      %dma_wait3A_91 = arith.constant 0 : i32
      %dma_wait3A_92 = tpu.memref_slice %arg3[%add3A, %dma_wait3A_90, %dma_wait3A_91] : memref<32x3x96xi32, #tpu.memory_space<hbm>> -> memref<1x3x96xi32, #tpu.memory_space<hbm>>
      %dma_wait3A_93 = tpu.memref_squeeze %dma_wait3A_92 : memref<1x3x96xi32, #tpu.memory_space<hbm>> -> memref<3x96xi32, #tpu.memory_space<hbm>>
      %dma_wait3A_94 = arith.constant 0 : i32
      %dma_wait3A_95 = arith.constant 0 : i32
      %dma_wait3A_96 = tpu.memref_slice %arg3[%add3A, %dma_wait3A_94, %dma_wait3A_95] : memref<32x3x96xi32, #tpu.memory_space<hbm>> -> memref<1x3x96xi32, #tpu.memory_space<hbm>>
      %dma_wait3A_97 = tpu.memref_squeeze %dma_wait3A_96 : memref<1x3x96xi32, #tpu.memory_space<hbm>> -> memref<3x96xi32, #tpu.memory_space<hbm>>
      tpu.wait_dma2 semaphore(%run_scoped3A_81 : memref<!tpu.dma_semaphore, #tpu.memory_space<semaphore_mem>>) src(%dma_wait3A_97 : memref<3x96xi32, #tpu.memory_space<hbm>>) dst(%arg5 : memref<3x96xi32, #tpu.memory_space<vmem>>)
      tpu.yield
    }) : () -> ()
    %dma_start3A = arith.constant 0 : i32
    %dma_start3A_3 = arith.constant 0 : i32
    %dma_start3A_4 = arith.constant 0 : i32
    %dma_start3A_5 = arith.constant 0 : i32
    %dma_start3A_6 = tpu.memref_slice %arg6[%dma_start3A_3, %dma_start3A_4, %dma_start3A_5] : memref<3x96x64xf32, #tpu.memory_space<vmem>> -> memref<1x96x64xf32, #tpu.memory_space<vmem>>
    %dma_start3A_7 = tpu.memref_squeeze %dma_start3A_6 : memref<1x96x64xf32, #tpu.memory_space<vmem>> -> memref<96x64xf32, #tpu.memory_space<vmem>>
    %dma_start3A_8 = arith.constant 0 : i32
    %dma_start3A_9 = tpu.memref_slice %arg5[%dma_start3A, %dma_start3A_8] : memref<3x96xi32, #tpu.memory_space<vmem>> -> memref<1x96xi32, #tpu.memory_space<vmem>>
    %dma_start3A_10 = tpu.memref_squeeze %dma_start3A_9 : memref<1x96xi32, #tpu.memory_space<vmem>> -> memref<96xi32, #tpu.memory_space<vmem>>
    %dma_start3A_11 = arith.constant 0 : i32
    %dma_start3A_12 = arith.constant 0 : i32
    %dma_start3A_13 = tpu.memref_slice %arg2[%dma_start3A_11, %dma_start3A_12] : memref<1024x64xf32, #tpu.memory_space<hbm>> -> memref<1024x64xf32, #tpu.memory_space<hbm>>
    tpu.enqueue_indirect_dma source(%dma_start3A_13 : memref<1024x64xf32, #tpu.memory_space<hbm>>) target(%dma_start3A_7 : memref<96x64xf32, #tpu.memory_space<vmem>>) offsets(%dma_start3A_10 : memref<96xi32, #tpu.memory_space<vmem>>) semaphore(%arg7 : memref<!tpu.dma_semaphore, #tpu.memory_space<semaphore_mem>>)
    %dma_start3A_14 = arith.constant 1 : i32
    %dma_start3A_15 = arith.constant 1 : i32
    %dma_start3A_16 = arith.constant 0 : i32
    %dma_start3A_17 = arith.constant 0 : i32
    %dma_start3A_18 = tpu.memref_slice %arg6[%dma_start3A_15, %dma_start3A_16, %dma_start3A_17] : memref<3x96x64xf32, #tpu.memory_space<vmem>> -> memref<1x96x64xf32, #tpu.memory_space<vmem>>
    %dma_start3A_19 = tpu.memref_squeeze %dma_start3A_18 : memref<1x96x64xf32, #tpu.memory_space<vmem>> -> memref<96x64xf32, #tpu.memory_space<vmem>>
    %dma_start3A_20 = arith.constant 0 : i32
    %dma_start3A_21 = tpu.memref_slice %arg5[%dma_start3A_14, %dma_start3A_20] : memref<3x96xi32, #tpu.memory_space<vmem>> -> memref<1x96xi32, #tpu.memory_space<vmem>>
    %dma_start3A_22 = tpu.memref_squeeze %dma_start3A_21 : memref<1x96xi32, #tpu.memory_space<vmem>> -> memref<96xi32, #tpu.memory_space<vmem>>
    %dma_start3A_23 = arith.constant 0 : i32
    %dma_start3A_24 = arith.constant 0 : i32
    %dma_start3A_25 = tpu.memref_slice %arg2[%dma_start3A_23, %dma_start3A_24] : memref<1024x64xf32, #tpu.memory_space<hbm>> -> memref<1024x64xf32, #tpu.memory_space<hbm>>
    tpu.enqueue_indirect_dma source(%dma_start3A_25 : memref<1024x64xf32, #tpu.memory_space<hbm>>) target(%dma_start3A_19 : memref<96x64xf32, #tpu.memory_space<vmem>>) offsets(%dma_start3A_22 : memref<96xi32, #tpu.memory_space<vmem>>) semaphore(%arg7 : memref<!tpu.dma_semaphore, #tpu.memory_space<semaphore_mem>>)
    %dma_start3A_26 = arith.constant 2 : i32
    %dma_start3A_27 = arith.constant 2 : i32
    %dma_start3A_28 = arith.constant 0 : i32
    %dma_start3A_29 = arith.constant 0 : i32
    %dma_start3A_30 = tpu.memref_slice %arg6[%dma_start3A_27, %dma_start3A_28, %dma_start3A_29] : memref<3x96x64xf32, #tpu.memory_space<vmem>> -> memref<1x96x64xf32, #tpu.memory_space<vmem>>
    %dma_start3A_31 = tpu.memref_squeeze %dma_start3A_30 : memref<1x96x64xf32, #tpu.memory_space<vmem>> -> memref<96x64xf32, #tpu.memory_space<vmem>>
    %dma_start3A_32 = arith.constant 0 : i32
    %dma_start3A_33 = tpu.memref_slice %arg5[%dma_start3A_26, %dma_start3A_32] : memref<3x96xi32, #tpu.memory_space<vmem>> -> memref<1x96xi32, #tpu.memory_space<vmem>>
    %dma_start3A_34 = tpu.memref_squeeze %dma_start3A_33 : memref<1x96xi32, #tpu.memory_space<vmem>> -> memref<96xi32, #tpu.memory_space<vmem>>
    %dma_start3A_35 = arith.constant 0 : i32
    %dma_start3A_36 = arith.constant 0 : i32
    %dma_start3A_37 = tpu.memref_slice %arg2[%dma_start3A_35, %dma_start3A_36] : memref<1024x64xf32, #tpu.memory_space<hbm>> -> memref<1024x64xf32, #tpu.memory_space<hbm>>
    tpu.enqueue_indirect_dma source(%dma_start3A_37 : memref<1024x64xf32, #tpu.memory_space<hbm>>) target(%dma_start3A_31 : memref<96x64xf32, #tpu.memory_space<vmem>>) offsets(%dma_start3A_34 : memref<96xi32, #tpu.memory_space<vmem>>) semaphore(%arg7 : memref<!tpu.dma_semaphore, #tpu.memory_space<semaphore_mem>>)
    %dma_wait3A = arith.constant 0 : i32
    %dma_wait3A_38 = arith.constant 0 : i32
    %dma_wait3A_39 = arith.constant 0 : i32
    %dma_wait3A_40 = arith.constant 0 : i32
    %dma_wait3A_41 = tpu.memref_slice %arg6[%dma_wait3A_38, %dma_wait3A_39, %dma_wait3A_40] : memref<3x96x64xf32, #tpu.memory_space<vmem>> -> memref<1x96x64xf32, #tpu.memory_space<vmem>>
    %dma_wait3A_42 = tpu.memref_squeeze %dma_wait3A_41 : memref<1x96x64xf32, #tpu.memory_space<vmem>> -> memref<96x64xf32, #tpu.memory_space<vmem>>
    %dma_wait3A_43 = arith.constant 0 : i32
    %dma_wait3A_44 = tpu.memref_slice %arg5[%dma_wait3A, %dma_wait3A_43] : memref<3x96xi32, #tpu.memory_space<vmem>> -> memref<1x96xi32, #tpu.memory_space<vmem>>
    %dma_wait3A_45 = tpu.memref_squeeze %dma_wait3A_44 : memref<1x96xi32, #tpu.memory_space<vmem>> -> memref<96xi32, #tpu.memory_space<vmem>>
    %dma_wait3A_46 = arith.constant 0 : i32
    %dma_wait3A_47 = arith.constant 0 : i32
    %dma_wait3A_48 = tpu.memref_slice %arg2[%dma_wait3A_46, %dma_wait3A_47] : memref<1024x64xf32, #tpu.memory_space<hbm>> -> memref<1024x64xf32, #tpu.memory_space<hbm>>
    tpu.wait_indirect_dma semaphore(%arg7 : memref<!tpu.dma_semaphore, #tpu.memory_space<semaphore_mem>>) src(%dma_wait3A_48 : memref<1024x64xf32, #tpu.memory_space<hbm>>) dst(%dma_wait3A_42 : memref<96x64xf32, #tpu.memory_space<vmem>>)
    %add3A_49 = arith.constant 0 : i32
    %add3A_50 = arith.addi %mul3A_2, %add3A_49 : i32
    %run_scoped3A = arith.constant 0 : i32
    "tpu.region"() ({
      %run_scoped3A_81 = tpu.sem_alloc : memref<!tpu.dma_semaphore, #tpu.memory_space<semaphore_mem>>
      %dma_start3A_82 = arith.constant 0 : i32
      %dma_start3A_83 = arith.constant 0 : i32
      %dma_start3A_84 = tpu.memref_slice %arg6[%run_scoped3A, %dma_start3A_82, %dma_start3A_83] : memref<3x96x64xf32, #tpu.memory_space<vmem>> -> memref<1x96x64xf32, #tpu.memory_space<vmem>>
      %dma_start3A_85 = tpu.memref_squeeze %dma_start3A_84 : memref<1x96x64xf32, #tpu.memory_space<vmem>> -> memref<96x64xf32, #tpu.memory_space<vmem>>
      %dma_start3A_86 = arith.constant 0 : i32
      %dma_start3A_87 = tpu.memref_slice %arg4[%add3A_50, %dma_start3A_86] : memref<9216x64xf32, #tpu.memory_space<hbm>> -> memref<96x64xf32, #tpu.memory_space<hbm>>
      %dma_start3A_88 = arith.constant 0 : i32
      %dma_start3A_89 = tpu.memref_slice %arg4[%add3A_50, %dma_start3A_88] : memref<9216x64xf32, #tpu.memory_space<hbm>> -> memref<96x64xf32, #tpu.memory_space<hbm>>
      %dma_start3A_90 = arith.constant 0 : i32
      %dma_start3A_91 = arith.constant 0 : i32
      %dma_start3A_92 = tpu.memref_slice %arg6[%run_scoped3A, %dma_start3A_90, %dma_start3A_91] : memref<3x96x64xf32, #tpu.memory_space<vmem>> -> memref<1x96x64xf32, #tpu.memory_space<vmem>>
      %dma_start3A_93 = tpu.memref_squeeze %dma_start3A_92 : memref<1x96x64xf32, #tpu.memory_space<vmem>> -> memref<96x64xf32, #tpu.memory_space<vmem>>
      tpu.enqueue_dma source(%dma_start3A_93 : memref<96x64xf32, #tpu.memory_space<vmem>>) target(%dma_start3A_89 : memref<96x64xf32, #tpu.memory_space<hbm>>) target_semaphore(%run_scoped3A_81 : memref<!tpu.dma_semaphore, #tpu.memory_space<semaphore_mem>>)
      %dma_wait3A_94 = arith.constant 0 : i32
      %dma_wait3A_95 = arith.constant 0 : i32
      %dma_wait3A_96 = tpu.memref_slice %arg6[%run_scoped3A, %dma_wait3A_94, %dma_wait3A_95] : memref<3x96x64xf32, #tpu.memory_space<vmem>> -> memref<1x96x64xf32, #tpu.memory_space<vmem>>
      %dma_wait3A_97 = tpu.memref_squeeze %dma_wait3A_96 : memref<1x96x64xf32, #tpu.memory_space<vmem>> -> memref<96x64xf32, #tpu.memory_space<vmem>>
      %dma_wait3A_98 = arith.constant 0 : i32
      %dma_wait3A_99 = tpu.memref_slice %arg4[%add3A_50, %dma_wait3A_98] : memref<9216x64xf32, #tpu.memory_space<hbm>> -> memref<96x64xf32, #tpu.memory_space<hbm>>
      %dma_wait3A_100 = arith.constant 0 : i32
      %dma_wait3A_101 = tpu.memref_slice %arg4[%add3A_50, %dma_wait3A_100] : memref<9216x64xf32, #tpu.memory_space<hbm>> -> memref<96x64xf32, #tpu.memory_space<hbm>>
      %dma_wait3A_102 = arith.constant 0 : i32
      %dma_wait3A_103 = arith.constant 0 : i32
      %dma_wait3A_104 = tpu.memref_slice %arg6[%run_scoped3A, %dma_wait3A_102, %dma_wait3A_103] : memref<3x96x64xf32, #tpu.memory_space<vmem>> -> memref<1x96x64xf32, #tpu.memory_space<vmem>>
      %dma_wait3A_105 = tpu.memref_squeeze %dma_wait3A_104 : memref<1x96x64xf32, #tpu.memory_space<vmem>> -> memref<96x64xf32, #tpu.memory_space<vmem>>
      tpu.wait_dma2 semaphore(%run_scoped3A_81 : memref<!tpu.dma_semaphore, #tpu.memory_space<semaphore_mem>>) src(%dma_wait3A_105 : memref<96x64xf32, #tpu.memory_space<vmem>>) dst(%dma_wait3A_101 : memref<96x64xf32, #tpu.memory_space<hbm>>)
      tpu.yield
    }) : () -> ()
    %dma_wait3A_51 = arith.constant 1 : i32
    %dma_wait3A_52 = arith.constant 1 : i32
    %dma_wait3A_53 = arith.constant 0 : i32
    %dma_wait3A_54 = arith.constant 0 : i32
    %dma_wait3A_55 = tpu.memref_slice %arg6[%dma_wait3A_52, %dma_wait3A_53, %dma_wait3A_54] : memref<3x96x64xf32, #tpu.memory_space<vmem>> -> memref<1x96x64xf32, #tpu.memory_space<vmem>>
    %dma_wait3A_56 = tpu.memref_squeeze %dma_wait3A_55 : memref<1x96x64xf32, #tpu.memory_space<vmem>> -> memref<96x64xf32, #tpu.memory_space<vmem>>
    %dma_wait3A_57 = arith.constant 0 : i32
    %dma_wait3A_58 = tpu.memref_slice %arg5[%dma_wait3A_51, %dma_wait3A_57] : memref<3x96xi32, #tpu.memory_space<vmem>> -> memref<1x96xi32, #tpu.memory_space<vmem>>
    %dma_wait3A_59 = tpu.memref_squeeze %dma_wait3A_58 : memref<1x96xi32, #tpu.memory_space<vmem>> -> memref<96xi32, #tpu.memory_space<vmem>>
    %dma_wait3A_60 = arith.constant 0 : i32
    %dma_wait3A_61 = arith.constant 0 : i32
    %dma_wait3A_62 = tpu.memref_slice %arg2[%dma_wait3A_60, %dma_wait3A_61] : memref<1024x64xf32, #tpu.memory_space<hbm>> -> memref<1024x64xf32, #tpu.memory_space<hbm>>
    tpu.wait_indirect_dma semaphore(%arg7 : memref<!tpu.dma_semaphore, #tpu.memory_space<semaphore_mem>>) src(%dma_wait3A_62 : memref<1024x64xf32, #tpu.memory_space<hbm>>) dst(%dma_wait3A_56 : memref<96x64xf32, #tpu.memory_space<vmem>>)
    %add3A_63 = arith.constant 96 : i32
    %add3A_64 = arith.addi %mul3A_2, %add3A_63 : i32
    %run_scoped3A_65 = arith.constant 1 : i32
    "tpu.region"() ({
      %run_scoped3A_81 = tpu.sem_alloc : memref<!tpu.dma_semaphore, #tpu.memory_space<semaphore_mem>>
      %dma_start3A_82 = arith.constant 0 : i32
      %dma_start3A_83 = arith.constant 0 : i32
      %dma_start3A_84 = tpu.memref_slice %arg6[%run_scoped3A_65, %dma_start3A_82, %dma_start3A_83] : memref<3x96x64xf32, #tpu.memory_space<vmem>> -> memref<1x96x64xf32, #tpu.memory_space<vmem>>
      %dma_start3A_85 = tpu.memref_squeeze %dma_start3A_84 : memref<1x96x64xf32, #tpu.memory_space<vmem>> -> memref<96x64xf32, #tpu.memory_space<vmem>>
      %dma_start3A_86 = arith.constant 0 : i32
      %dma_start3A_87 = tpu.memref_slice %arg4[%add3A_64, %dma_start3A_86] : memref<9216x64xf32, #tpu.memory_space<hbm>> -> memref<96x64xf32, #tpu.memory_space<hbm>>
      %dma_start3A_88 = arith.constant 0 : i32
      %dma_start3A_89 = tpu.memref_slice %arg4[%add3A_64, %dma_start3A_88] : memref<9216x64xf32, #tpu.memory_space<hbm>> -> memref<96x64xf32, #tpu.memory_space<hbm>>
      %dma_start3A_90 = arith.constant 0 : i32
      %dma_start3A_91 = arith.constant 0 : i32
      %dma_start3A_92 = tpu.memref_slice %arg6[%run_scoped3A_65, %dma_start3A_90, %dma_start3A_91] : memref<3x96x64xf32, #tpu.memory_space<vmem>> -> memref<1x96x64xf32, #tpu.memory_space<vmem>>
      %dma_start3A_93 = tpu.memref_squeeze %dma_start3A_92 : memref<1x96x64xf32, #tpu.memory_space<vmem>> -> memref<96x64xf32, #tpu.memory_space<vmem>>
      tpu.enqueue_dma source(%dma_start3A_93 : memref<96x64xf32, #tpu.memory_space<vmem>>) target(%dma_start3A_89 : memref<96x64xf32, #tpu.memory_space<hbm>>) target_semaphore(%run_scoped3A_81 : memref<!tpu.dma_semaphore, #tpu.memory_space<semaphore_mem>>)
      %dma_wait3A_94 = arith.constant 0 : i32
      %dma_wait3A_95 = arith.constant 0 : i32
      %dma_wait3A_96 = tpu.memref_slice %arg6[%run_scoped3A_65, %dma_wait3A_94, %dma_wait3A_95] : memref<3x96x64xf32, #tpu.memory_space<vmem>> -> memref<1x96x64xf32, #tpu.memory_space<vmem>>
      %dma_wait3A_97 = tpu.memref_squeeze %dma_wait3A_96 : memref<1x96x64xf32, #tpu.memory_space<vmem>> -> memref<96x64xf32, #tpu.memory_space<vmem>>
      %dma_wait3A_98 = arith.constant 0 : i32
      %dma_wait3A_99 = tpu.memref_slice %arg4[%add3A_64, %dma_wait3A_98] : memref<9216x64xf32, #tpu.memory_space<hbm>> -> memref<96x64xf32, #tpu.memory_space<hbm>>
      %dma_wait3A_100 = arith.constant 0 : i32
      %dma_wait3A_101 = tpu.memref_slice %arg4[%add3A_64, %dma_wait3A_100] : memref<9216x64xf32, #tpu.memory_space<hbm>> -> memref<96x64xf32, #tpu.memory_space<hbm>>
      %dma_wait3A_102 = arith.constant 0 : i32
      %dma_wait3A_103 = arith.constant 0 : i32
      %dma_wait3A_104 = tpu.memref_slice %arg6[%run_scoped3A_65, %dma_wait3A_102, %dma_wait3A_103] : memref<3x96x64xf32, #tpu.memory_space<vmem>> -> memref<1x96x64xf32, #tpu.memory_space<vmem>>
      %dma_wait3A_105 = tpu.memref_squeeze %dma_wait3A_104 : memref<1x96x64xf32, #tpu.memory_space<vmem>> -> memref<96x64xf32, #tpu.memory_space<vmem>>
      tpu.wait_dma2 semaphore(%run_scoped3A_81 : memref<!tpu.dma_semaphore, #tpu.memory_space<semaphore_mem>>) src(%dma_wait3A_105 : memref<96x64xf32, #tpu.memory_space<vmem>>) dst(%dma_wait3A_101 : memref<96x64xf32, #tpu.memory_space<hbm>>)
      tpu.yield
    }) : () -> ()
    %dma_wait3A_66 = arith.constant 2 : i32
    %dma_wait3A_67 = arith.constant 2 : i32
    %dma_wait3A_68 = arith.constant 0 : i32
    %dma_wait3A_69 = arith.constant 0 : i32
    %dma_wait3A_70 = tpu.memref_slice %arg6[%dma_wait3A_67, %dma_wait3A_68, %dma_wait3A_69] : memref<3x96x64xf32, #tpu.memory_space<vmem>> -> memref<1x96x64xf32, #tpu.memory_space<vmem>>
    %dma_wait3A_71 = tpu.memref_squeeze %dma_wait3A_70 : memref<1x96x64xf32, #tpu.memory_space<vmem>> -> memref<96x64xf32, #tpu.memory_space<vmem>>
    %dma_wait3A_72 = arith.constant 0 : i32
    %dma_wait3A_73 = tpu.memref_slice %arg5[%dma_wait3A_66, %dma_wait3A_72] : memref<3x96xi32, #tpu.memory_space<vmem>> -> memref<1x96xi32, #tpu.memory_space<vmem>>
    %dma_wait3A_74 = tpu.memref_squeeze %dma_wait3A_73 : memref<1x96xi32, #tpu.memory_space<vmem>> -> memref<96xi32, #tpu.memory_space<vmem>>
    %dma_wait3A_75 = arith.constant 0 : i32
    %dma_wait3A_76 = arith.constant 0 : i32
    %dma_wait3A_77 = tpu.memref_slice %arg2[%dma_wait3A_75, %dma_wait3A_76] : memref<1024x64xf32, #tpu.memory_space<hbm>> -> memref<1024x64xf32, #tpu.memory_space<hbm>>
    tpu.wait_indirect_dma semaphore(%arg7 : memref<!tpu.dma_semaphore, #tpu.memory_space<semaphore_mem>>) src(%dma_wait3A_77 : memref<1024x64xf32, #tpu.memory_space<hbm>>) dst(%dma_wait3A_71 : memref<96x64xf32, #tpu.memory_space<vmem>>)
    %add3A_78 = arith.constant 192 : i32
    %add3A_79 = arith.addi %mul3A_2, %add3A_78 : i32
    %run_scoped3A_80 = arith.constant 2 : i32
    "tpu.region"() ({
      %run_scoped3A_81 = tpu.sem_alloc : memref<!tpu.dma_semaphore, #tpu.memory_space<semaphore_mem>>
      %dma_start3A_82 = arith.constant 0 : i32
      %dma_start3A_83 = arith.constant 0 : i32
      %dma_start3A_84 = tpu.memref_slice %arg6[%run_scoped3A_80, %dma_start3A_82, %dma_start3A_83] : memref<3x96x64xf32, #tpu.memory_space<vmem>> -> memref<1x96x64xf32, #tpu.memory_space<vmem>>
      %dma_start3A_85 = tpu.memref_squeeze %dma_start3A_84 : memref<1x96x64xf32, #tpu.memory_space<vmem>> -> memref<96x64xf32, #tpu.memory_space<vmem>>
      %dma_start3A_86 = arith.constant 0 : i32
      %dma_start3A_87 = tpu.memref_slice %arg4[%add3A_79, %dma_start3A_86] : memref<9216x64xf32, #tpu.memory_space<hbm>> -> memref<96x64xf32, #tpu.memory_space<hbm>>
      %dma_start3A_88 = arith.constant 0 : i32
      %dma_start3A_89 = tpu.memref_slice %arg4[%add3A_79, %dma_start3A_88] : memref<9216x64xf32, #tpu.memory_space<hbm>> -> memref<96x64xf32, #tpu.memory_space<hbm>>
      %dma_start3A_90 = arith.constant 0 : i32
      %dma_start3A_91 = arith.constant 0 : i32
      %dma_start3A_92 = tpu.memref_slice %arg6[%run_scoped3A_80, %dma_start3A_90, %dma_start3A_91] : memref<3x96x64xf32, #tpu.memory_space<vmem>> -> memref<1x96x64xf32, #tpu.memory_space<vmem>>
      %dma_start3A_93 = tpu.memref_squeeze %dma_start3A_92 : memref<1x96x64xf32, #tpu.memory_space<vmem>> -> memref<96x64xf32, #tpu.memory_space<vmem>>
      tpu.enqueue_dma source(%dma_start3A_93 : memref<96x64xf32, #tpu.memory_space<vmem>>) target(%dma_start3A_89 : memref<96x64xf32, #tpu.memory_space<hbm>>) target_semaphore(%run_scoped3A_81 : memref<!tpu.dma_semaphore, #tpu.memory_space<semaphore_mem>>)
      %dma_wait3A_94 = arith.constant 0 : i32
      %dma_wait3A_95 = arith.constant 0 : i32
      %dma_wait3A_96 = tpu.memref_slice %arg6[%run_scoped3A_80, %dma_wait3A_94, %dma_wait3A_95] : memref<3x96x64xf32, #tpu.memory_space<vmem>> -> memref<1x96x64xf32, #tpu.memory_space<vmem>>
      %dma_wait3A_97 = tpu.memref_squeeze %dma_wait3A_96 : memref<1x96x64xf32, #tpu.memory_space<vmem>> -> memref<96x64xf32, #tpu.memory_space<vmem>>
      %dma_wait3A_98 = arith.constant 0 : i32
      %dma_wait3A_99 = tpu.memref_slice %arg4[%add3A_79, %dma_wait3A_98] : memref<9216x64xf32, #tpu.memory_space<hbm>> -> memref<96x64xf32, #tpu.memory_space<hbm>>
      %dma_wait3A_100 = arith.constant 0 : i32
      %dma_wait3A_101 = tpu.memref_slice %arg4[%add3A_79, %dma_wait3A_100] : memref<9216x64xf32, #tpu.memory_space<hbm>> -> memref<96x64xf32, #tpu.memory_space<hbm>>
      %dma_wait3A_102 = arith.constant 0 : i32
      %dma_wait3A_103 = arith.constant 0 : i32
      %dma_wait3A_104 = tpu.memref_slice %arg6[%run_scoped3A_80, %dma_wait3A_102, %dma_wait3A_103] : memref<3x96x64xf32, #tpu.memory_space<vmem>> -> memref<1x96x64xf32, #tpu.memory_space<vmem>>
      %dma_wait3A_105 = tpu.memref_squeeze %dma_wait3A_104 : memref<1x96x64xf32, #tpu.memory_space<vmem>> -> memref<96x64xf32, #tpu.memory_space<vmem>>
      tpu.wait_dma2 semaphore(%run_scoped3A_81 : memref<!tpu.dma_semaphore, #tpu.memory_space<semaphore_mem>>) src(%dma_wait3A_105 : memref<96x64xf32, #tpu.memory_space<vmem>>) dst(%dma_wait3A_101 : memref<96x64xf32, #tpu.memory_space<hbm>>)
      tpu.yield
    }) : () -> ()
    return
  }
}

module attributes {stable_mosaic.version = 14 : i64} {
  func.func @_argmin_body(%arg0: i32, %arg1: memref<16x64x576xf32, #tpu.memory_space<vmem>>, %arg2: memref<1024x64xf32, #tpu.memory_space<vmem>>, %arg3: memref<64x64xf32, #tpu.memory_space<vmem>>, %arg4: memref<1x64xf32, #tpu.memory_space<vmem>>, %arg5: memref<1x16x576xi32, #tpu.memory_space<vmem>>, %arg6: memref<1024x64xf32, #tpu.memory_space<vmem>>) attributes {dimension_semantics = [#tpu.dimension_semantics<arbitrary>], iteration_bounds = array<i64: 1>, scalar_prefetch = 0 : i64, scratch_operands = 0 : i64, tpu.core_type = #tpu.core_type<tc>, window_params = [{transform_indices = @transform_0, window_bounds = array<i64: 16, 64, 576>}, {pipeline_mode = #tpu.pipeline_mode<synchronous>, transform_indices = @transform_1, window_bounds = array<i64: 1024, 64>}, {pipeline_mode = #tpu.pipeline_mode<synchronous>, transform_indices = @transform_2, window_bounds = array<i64: 64, 64>}, {pipeline_mode = #tpu.pipeline_mode<synchronous>, transform_indices = @transform_3, window_bounds = array<i64: 1, 64>}, {transform_indices = @transform_4, window_bounds = array<i64: 1, 16, 576>}, {pipeline_mode = #tpu.pipeline_mode<synchronous>, transform_indices = @transform_5, window_bounds = array<i64: 1024, 64>}]} {
    %get3A = arith.constant 0 : index
    %get3A_0 = arith.constant 0 : index
    %get3A_1 = vector.load %arg2[%get3A, %get3A_0] : memref<1024x64xf32, #tpu.memory_space<vmem>>, vector<1024x64xf32>
    %mul3A = arith.mulf %get3A_1, %get3A_1 : vector<1024x64xf32>
    %reduce_sum3A = arith.constant dense<0.000000e+00> : vector<1024xf32>
    %reduce_sum3A_2 = vector.multi_reduction <add>, %mul3A, %reduce_sum3A [1] : vector<1024x64xf32> to vector<1024xf32>
    %broadcast_in_dim3A = vector.shape_cast %reduce_sum3A_2 : vector<1024xf32> to vector<1x1024xf32>
    %iota3A = tpu.iota {dimensions = array<i32: 1>} : vector<576x1024xi32>
    %convert_element_type3A = arith.sitofp %iota3A : vector<576x1024xi32> to vector<576x1024xf32>
    %get3A_3 = arith.constant 0 : index
    %get3A_4 = arith.constant 0 : index
    %get3A_5 = arith.constant 0 : index
    %get3A_6 = vector.load %arg1[%get3A_3, %get3A_4, %get3A_5] : memref<16x64x576xf32, #tpu.memory_space<vmem>>, vector<1x64x576xf32>
    %get3A_7 = vector.shape_cast %get3A_6 : vector<1x64x576xf32> to vector<64x576xf32>
    %transpose3A = tpu.transpose %get3A_7, [1, 0] : vector<64x576xf32> -> vector<576x64xf32>
    %dot_general3A = arith.constant dense<0.000000e+00> : vector<576x1024xf32>
    %dot_general3A_8 = tpu.matmul %transpose3A, %get3A_1, %dot_general3A {dimension_numbers = #tpu.dot_dimension_numbers<[1], [1], [0], [0], [0, 0, 1, 0], [], []>, transpose_lhs_hint = false} : vector<576x64xf32>, vector<1024x64xf32>, vector<576x1024xf32> -> vector<576x1024xf32>
    %mul3A_9 = arith.mulf %transpose3A, %transpose3A : vector<576x64xf32>
    %reduce_sum3A_10 = arith.constant dense<0.000000e+00> : vector<576xf32>
    %reduce_sum3A_11 = vector.multi_reduction <add>, %mul3A_9, %reduce_sum3A_10 [1] : vector<576x64xf32> to vector<576xf32>
    %broadcast_in_dim3A_12 = vector.shape_cast %reduce_sum3A_11 : vector<576xf32> to vector<576x1xf32>
    %mul3A_13 = arith.constant 2.000000e+00 : f32
    %mul3A_14 = vector.broadcast %mul3A_13 : f32 to vector<576x1024xf32>
    %mul3A_15 = arith.mulf %mul3A_14, %dot_general3A_8 : vector<576x1024xf32>
    %sub3A = vector.broadcast %broadcast_in_dim3A_12 : vector<576x1xf32> to vector<576x1024xf32>
    %sub3A_16 = arith.subf %sub3A, %mul3A_15 : vector<576x1024xf32>
    %add3A = vector.broadcast %broadcast_in_dim3A : vector<1x1024xf32> to vector<576x1024xf32>
    %add3A_17 = arith.addf %sub3A_16, %add3A : vector<576x1024xf32>
    %reduce_min3A = arith.constant dense<0x7F800000> : vector<576xf32>
    %reduce_min3A_18 = vector.multi_reduction <minimumf>, %add3A_17, %reduce_min3A [1] : vector<576x1024xf32> to vector<576xf32>
    %broadcast_in_dim3A_19 = vector.shape_cast %reduce_min3A_18 : vector<576xf32> to vector<576x1xf32>
    %eq3A = vector.broadcast %broadcast_in_dim3A_19 : vector<576x1xf32> to vector<576x1024xf32>
    %eq3A_20 = arith.cmpf oeq, %add3A_17, %eq3A : vector<576x1024xf32>
    %jit3A = arith.constant 1.024000e+03 : f32
    %broadcast_in_dim3A_21 = vector.broadcast %jit3A : f32 to vector<576x1024xf32>
    %select_n3A = arith.select %eq3A_20, %convert_element_type3A, %broadcast_in_dim3A_21 : vector<576x1024xi1>, vector<576x1024xf32>
    %reduce_min3A_22 = arith.constant dense<0x7F800000> : vector<576xf32>
    %reduce_min3A_23 = vector.multi_reduction <minimumf>, %select_n3A, %reduce_min3A_22 [1] : vector<576x1024xf32> to vector<576xf32>
    %convert_element_type3A_24 = arith.fptosi %reduce_min3A_23 : vector<576xf32> to vector<576xi32>
    %swap3A = arith.constant 0 : index
    %swap3A_25 = arith.constant 0 : index
    %swap3A_26 = arith.constant 0 : index
    %swap3A_27 = vector.load %arg5[%swap3A, %swap3A_25, %swap3A_26] : memref<1x16x576xi32, #tpu.memory_space<vmem>>, vector<1x1x576xi32>
    %swap3A_28 = vector.shape_cast %swap3A_27 : vector<1x1x576xi32> to vector<576xi32>
    %swap3A_29 = vector.shape_cast %convert_element_type3A_24 : vector<576xi32> to vector<1x1x576xi32>
    tpu.vector_store %arg5[%swap3A, %swap3A_25, %swap3A_26], %swap3A_29 {strides = array<i32>} : memref<1x16x576xi32, #tpu.memory_space<vmem>>, vector<1x1x576xi32>,
    %get3A_30 = arith.constant 1 : index
    %get3A_31 = arith.constant 0 : index
    %get3A_32 = arith.constant 0 : index
    %get3A_33 = vector.load %arg1[%get3A_30, %get3A_31, %get3A_32] : memref<16x64x576xf32, #tpu.memory_space<vmem>>, vector<1x64x576xf32>
    %get3A_34 = vector.shape_cast %get3A_33 : vector<1x64x576xf32> to vector<64x576xf32>
    %transpose3A_35 = tpu.transpose %get3A_34, [1, 0] : vector<64x576xf32> -> vector<576x64xf32>
    %dot_general3A_36 = arith.constant dense<0.000000e+00> : vector<576x1024xf32>
    %dot_general3A_37 = tpu.matmul %transpose3A_35, %get3A_1, %dot_general3A_36 {dimension_numbers = #tpu.dot_dimension_numbers<[1], [1], [0], [0], [0, 0, 1, 0], [], []>, transpose_lhs_hint = false} : vector<576x64xf32>, vector<1024x64xf32>, vector<576x1024xf32> -> vector<576x1024xf32>
    %mul3A_38 = arith.mulf %transpose3A_35, %transpose3A_35 : vector<576x64xf32>
    %reduce_sum3A_39 = arith.constant dense<0.000000e+00> : vector<576xf32>
    %reduce_sum3A_40 = vector.multi_reduction <add>, %mul3A_38, %reduce_sum3A_39 [1] : vector<576x64xf32> to vector<576xf32>
    %broadcast_in_dim3A_41 = vector.shape_cast %reduce_sum3A_40 : vector<576xf32> to vector<576x1xf32>
    %mul3A_42 = arith.constant 2.000000e+00 : f32
    %mul3A_43 = vector.broadcast %mul3A_42 : f32 to vector<576x1024xf32>
    %mul3A_44 = arith.mulf %mul3A_43, %dot_general3A_37 : vector<576x1024xf32>
    %sub3A_45 = vector.broadcast %broadcast_in_dim3A_41 : vector<576x1xf32> to vector<576x1024xf32>
    %sub3A_46 = arith.subf %sub3A_45, %mul3A_44 : vector<576x1024xf32>
    %add3A_47 = vector.broadcast %broadcast_in_dim3A : vector<1x1024xf32> to vector<576x1024xf32>
    %add3A_48 = arith.addf %sub3A_46, %add3A_47 : vector<576x1024xf32>
    %reduce_min3A_49 = arith.constant dense<0x7F800000> : vector<576xf32>
    %reduce_min3A_50 = vector.multi_reduction <minimumf>, %add3A_48, %reduce_min3A_49 [1] : vector<576x1024xf32> to vector<576xf32>
    %broadcast_in_dim3A_51 = vector.shape_cast %reduce_min3A_50 : vector<576xf32> to vector<576x1xf32>
    %eq3A_52 = vector.broadcast %broadcast_in_dim3A_51 : vector<576x1xf32> to vector<576x1024xf32>
    %eq3A_53 = arith.cmpf oeq, %add3A_48, %eq3A_52 : vector<576x1024xf32>
    %jit3A_54 = arith.constant 1.024000e+03 : f32
    %broadcast_in_dim3A_55 = vector.broadcast %jit3A_54 : f32 to vector<576x1024xf32>
    %select_n3A_56 = arith.select %eq3A_53, %convert_element_type3A, %broadcast_in_dim3A_55 : vector<576x1024xi1>, vector<576x1024xf32>
    %reduce_min3A_57 = arith.constant dense<0x7F800000> : vector<576xf32>
    %reduce_min3A_58 = vector.multi_reduction <minimumf>, %select_n3A_56, %reduce_min3A_57 [1] : vector<576x1024xf32> to vector<576xf32>
    %convert_element_type3A_59 = arith.fptosi %reduce_min3A_58 : vector<576xf32> to vector<576xi32>
    %swap3A_60 = arith.constant 0 : index
    %swap3A_61 = arith.constant 1 : index
    %swap3A_62 = arith.constant 0 : index
    %swap3A_63 = vector.load %arg5[%swap3A_60, %swap3A_61, %swap3A_62] : memref<1x16x576xi32, #tpu.memory_space<vmem>>, vector<1x1x576xi32>
    %swap3A_64 = vector.shape_cast %swap3A_63 : vector<1x1x576xi32> to vector<576xi32>
    %swap3A_65 = vector.shape_cast %convert_element_type3A_59 : vector<576xi32> to vector<1x1x576xi32>
    tpu.vector_store %arg5[%swap3A_60, %swap3A_61, %swap3A_62], %swap3A_65 {strides = array<i32>} : memref<1x16x576xi32, #tpu.memory_space<vmem>>, vector<1x1x576xi32>,
    %get3A_66 = arith.constant 2 : index
    %get3A_67 = arith.constant 0 : index
    %get3A_68 = arith.constant 0 : index
    %get3A_69 = vector.load %arg1[%get3A_66, %get3A_67, %get3A_68] : memref<16x64x576xf32, #tpu.memory_space<vmem>>, vector<1x64x576xf32>
    %get3A_70 = vector.shape_cast %get3A_69 : vector<1x64x576xf32> to vector<64x576xf32>
    %transpose3A_71 = tpu.transpose %get3A_70, [1, 0] : vector<64x576xf32> -> vector<576x64xf32>
    %dot_general3A_72 = arith.constant dense<0.000000e+00> : vector<576x1024xf32>
    %dot_general3A_73 = tpu.matmul %transpose3A_71, %get3A_1, %dot_general3A_72 {dimension_numbers = #tpu.dot_dimension_numbers<[1], [1], [0], [0], [0, 0, 1, 0], [], []>, transpose_lhs_hint = false} : vector<576x64xf32>, vector<1024x64xf32>, vector<576x1024xf32> -> vector<576x1024xf32>
    %mul3A_74 = arith.mulf %transpose3A_71, %transpose3A_71 : vector<576x64xf32>
    %reduce_sum3A_75 = arith.constant dense<0.000000e+00> : vector<576xf32>
    %reduce_sum3A_76 = vector.multi_reduction <add>, %mul3A_74, %reduce_sum3A_75 [1] : vector<576x64xf32> to vector<576xf32>
    %broadcast_in_dim3A_77 = vector.shape_cast %reduce_sum3A_76 : vector<576xf32> to vector<576x1xf32>
    %mul3A_78 = arith.constant 2.000000e+00 : f32
    %mul3A_79 = vector.broadcast %mul3A_78 : f32 to vector<576x1024xf32>
    %mul3A_80 = arith.mulf %mul3A_79, %dot_general3A_73 : vector<576x1024xf32>
    %sub3A_81 = vector.broadcast %broadcast_in_dim3A_77 : vector<576x1xf32> to vector<576x1024xf32>
    %sub3A_82 = arith.subf %sub3A_81, %mul3A_80 : vector<576x1024xf32>
    %add3A_83 = vector.broadcast %broadcast_in_dim3A : vector<1x1024xf32> to vector<576x1024xf32>
    %add3A_84 = arith.addf %sub3A_82, %add3A_83 : vector<576x1024xf32>
    %reduce_min3A_85 = arith.constant dense<0x7F800000> : vector<576xf32>
    %reduce_min3A_86 = vector.multi_reduction <minimumf>, %add3A_84, %reduce_min3A_85 [1] : vector<576x1024xf32> to vector<576xf32>
    %broadcast_in_dim3A_87 = vector.shape_cast %reduce_min3A_86 : vector<576xf32> to vector<576x1xf32>
    %eq3A_88 = vector.broadcast %broadcast_in_dim3A_87 : vector<576x1xf32> to vector<576x1024xf32>
    %eq3A_89 = arith.cmpf oeq, %add3A_84, %eq3A_88 : vector<576x1024xf32>
    %jit3A_90 = arith.constant 1.024000e+03 : f32
    %broadcast_in_dim3A_91 = vector.broadcast %jit3A_90 : f32 to vector<576x1024xf32>
    %select_n3A_92 = arith.select %eq3A_89, %convert_element_type3A, %broadcast_in_dim3A_91 : vector<576x1024xi1>, vector<576x1024xf32>
    %reduce_min3A_93 = arith.constant dense<0x7F800000> : vector<576xf32>
    %reduce_min3A_94 = vector.multi_reduction <minimumf>, %select_n3A_92, %reduce_min3A_93 [1] : vector<576x1024xf32> to vector<576xf32>
    %convert_element_type3A_95 = arith.fptosi %reduce_min3A_94 : vector<576xf32> to vector<576xi32>
    %swap3A_96 = arith.constant 0 : index
    %swap3A_97 = arith.constant 2 : index
    %swap3A_98 = arith.constant 0 : index
    %swap3A_99 = vector.load %arg5[%swap3A_96, %swap3A_97, %swap3A_98] : memref<1x16x576xi32, #tpu.memory_space<vmem>>, vector<1x1x576xi32>
    %swap3A_100 = vector.shape_cast %swap3A_99 : vector<1x1x576xi32> to vector<576xi32>
    %swap3A_101 = vector.shape_cast %convert_element_type3A_95 : vector<576xi32> to vector<1x1x576xi32>
    tpu.vector_store %arg5[%swap3A_96, %swap3A_97, %swap3A_98], %swap3A_101 {strides = array<i32>} : memref<1x16x576xi32, #tpu.memory_space<vmem>>, vector<1x1x576xi32>,
    %get3A_102 = arith.constant 3 : index
    %get3A_103 = arith.constant 0 : index
    %get3A_104 = arith.constant 0 : index
    %get3A_105 = vector.load %arg1[%get3A_102, %get3A_103, %get3A_104] : memref<16x64x576xf32, #tpu.memory_space<vmem>>, vector<1x64x576xf32>
    %get3A_106 = vector.shape_cast %get3A_105 : vector<1x64x576xf32> to vector<64x576xf32>
    %transpose3A_107 = tpu.transpose %get3A_106, [1, 0] : vector<64x576xf32> -> vector<576x64xf32>
    %dot_general3A_108 = arith.constant dense<0.000000e+00> : vector<576x1024xf32>
    %dot_general3A_109 = tpu.matmul %transpose3A_107, %get3A_1, %dot_general3A_108 {dimension_numbers = #tpu.dot_dimension_numbers<[1], [1], [0], [0], [0, 0, 1, 0], [], []>, transpose_lhs_hint = false} : vector<576x64xf32>, vector<1024x64xf32>, vector<576x1024xf32> -> vector<576x1024xf32>
    %mul3A_110 = arith.mulf %transpose3A_107, %transpose3A_107 : vector<576x64xf32>
    %reduce_sum3A_111 = arith.constant dense<0.000000e+00> : vector<576xf32>
    %reduce_sum3A_112 = vector.multi_reduction <add>, %mul3A_110, %reduce_sum3A_111 [1] : vector<576x64xf32> to vector<576xf32>
    %broadcast_in_dim3A_113 = vector.shape_cast %reduce_sum3A_112 : vector<576xf32> to vector<576x1xf32>
    %mul3A_114 = arith.constant 2.000000e+00 : f32
    %mul3A_115 = vector.broadcast %mul3A_114 : f32 to vector<576x1024xf32>
    %mul3A_116 = arith.mulf %mul3A_115, %dot_general3A_109 : vector<576x1024xf32>
    %sub3A_117 = vector.broadcast %broadcast_in_dim3A_113 : vector<576x1xf32> to vector<576x1024xf32>
    %sub3A_118 = arith.subf %sub3A_117, %mul3A_116 : vector<576x1024xf32>
    %add3A_119 = vector.broadcast %broadcast_in_dim3A : vector<1x1024xf32> to vector<576x1024xf32>
    %add3A_120 = arith.addf %sub3A_118, %add3A_119 : vector<576x1024xf32>
    %reduce_min3A_121 = arith.constant dense<0x7F800000> : vector<576xf32>
    %reduce_min3A_122 = vector.multi_reduction <minimumf>, %add3A_120, %reduce_min3A_121 [1] : vector<576x1024xf32> to vector<576xf32>
    %broadcast_in_dim3A_123 = vector.shape_cast %reduce_min3A_122 : vector<576xf32> to vector<576x1xf32>
    %eq3A_124 = vector.broadcast %broadcast_in_dim3A_123 : vector<576x1xf32> to vector<576x1024xf32>
    %eq3A_125 = arith.cmpf oeq, %add3A_120, %eq3A_124 : vector<576x1024xf32>
    %jit3A_126 = arith.constant 1.024000e+03 : f32
    %broadcast_in_dim3A_127 = vector.broadcast %jit3A_126 : f32 to vector<576x1024xf32>
    %select_n3A_128 = arith.select %eq3A_125, %convert_element_type3A, %broadcast_in_dim3A_127 : vector<576x1024xi1>, vector<576x1024xf32>
    %reduce_min3A_129 = arith.constant dense<0x7F800000> : vector<576xf32>
    %reduce_min3A_130 = vector.multi_reduction <minimumf>, %select_n3A_128, %reduce_min3A_129 [1] : vector<576x1024xf32> to vector<576xf32>
    %convert_element_type3A_131 = arith.fptosi %reduce_min3A_130 : vector<576xf32> to vector<576xi32>
    %swap3A_132 = arith.constant 0 : index
    %swap3A_133 = arith.constant 3 : index
    %swap3A_134 = arith.constant 0 : index
    %swap3A_135 = vector.load %arg5[%swap3A_132, %swap3A_133, %swap3A_134] : memref<1x16x576xi32, #tpu.memory_space<vmem>>, vector<1x1x576xi32>
    %swap3A_136 = vector.shape_cast %swap3A_135 : vector<1x1x576xi32> to vector<576xi32>
    %swap3A_137 = vector.shape_cast %convert_element_type3A_131 : vector<576xi32> to vector<1x1x576xi32>
    tpu.vector_store %arg5[%swap3A_132, %swap3A_133, %swap3A_134], %swap3A_137 {strides = array<i32>} : memref<1x16x576xi32, #tpu.memory_space<vmem>>, vector<1x1x576xi32>,
    %get3A_138 = arith.constant 4 : index
    %get3A_139 = arith.constant 0 : index
    %get3A_140 = arith.constant 0 : index
    %get3A_141 = vector.load %arg1[%get3A_138, %get3A_139, %get3A_140] : memref<16x64x576xf32, #tpu.memory_space<vmem>>, vector<1x64x576xf32>
    %get3A_142 = vector.shape_cast %get3A_141 : vector<1x64x576xf32> to vector<64x576xf32>
    %transpose3A_143 = tpu.transpose %get3A_142, [1, 0] : vector<64x576xf32> -> vector<576x64xf32>
    %dot_general3A_144 = arith.constant dense<0.000000e+00> : vector<576x1024xf32>
    %dot_general3A_145 = tpu.matmul %transpose3A_143, %get3A_1, %dot_general3A_144 {dimension_numbers = #tpu.dot_dimension_numbers<[1], [1], [0], [0], [0, 0, 1, 0], [], []>, transpose_lhs_hint = false} : vector<576x64xf32>, vector<1024x64xf32>, vector<576x1024xf32> -> vector<576x1024xf32>
    %mul3A_146 = arith.mulf %transpose3A_143, %transpose3A_143 : vector<576x64xf32>
    %reduce_sum3A_147 = arith.constant dense<0.000000e+00> : vector<576xf32>
    %reduce_sum3A_148 = vector.multi_reduction <add>, %mul3A_146, %reduce_sum3A_147 [1] : vector<576x64xf32> to vector<576xf32>
    %broadcast_in_dim3A_149 = vector.shape_cast %reduce_sum3A_148 : vector<576xf32> to vector<576x1xf32>
    %mul3A_150 = arith.constant 2.000000e+00 : f32
    %mul3A_151 = vector.broadcast %mul3A_150 : f32 to vector<576x1024xf32>
    %mul3A_152 = arith.mulf %mul3A_151, %dot_general3A_145 : vector<576x1024xf32>
    %sub3A_153 = vector.broadcast %broadcast_in_dim3A_149 : vector<576x1xf32> to vector<576x1024xf32>
    %sub3A_154 = arith.subf %sub3A_153, %mul3A_152 : vector<576x1024xf32>
    %add3A_155 = vector.broadcast %broadcast_in_dim3A : vector<1x1024xf32> to vector<576x1024xf32>
    %add3A_156 = arith.addf %sub3A_154, %add3A_155 : vector<576x1024xf32>
    %reduce_min3A_157 = arith.constant dense<0x7F800000> : vector<576xf32>
    %reduce_min3A_158 = vector.multi_reduction <minimumf>, %add3A_156, %reduce_min3A_157 [1] : vector<576x1024xf32> to vector<576xf32>
    %broadcast_in_dim3A_159 = vector.shape_cast %reduce_min3A_158 : vector<576xf32> to vector<576x1xf32>
    %eq3A_160 = vector.broadcast %broadcast_in_dim3A_159 : vector<576x1xf32> to vector<576x1024xf32>
    %eq3A_161 = arith.cmpf oeq, %add3A_156, %eq3A_160 : vector<576x1024xf32>
    %jit3A_162 = arith.constant 1.024000e+03 : f32
    %broadcast_in_dim3A_163 = vector.broadcast %jit3A_162 : f32 to vector<576x1024xf32>
    %select_n3A_164 = arith.select %eq3A_161, %convert_element_type3A, %broadcast_in_dim3A_163 : vector<576x1024xi1>, vector<576x1024xf32>
    %reduce_min3A_165 = arith.constant dense<0x7F800000> : vector<576xf32>
    %reduce_min3A_166 = vector.multi_reduction <minimumf>, %select_n3A_164, %reduce_min3A_165 [1] : vector<576x1024xf32> to vector<576xf32>
    %convert_element_type3A_167 = arith.fptosi %reduce_min3A_166 : vector<576xf32> to vector<576xi32>
    %swap3A_168 = arith.constant 0 : index
    %swap3A_169 = arith.constant 4 : index
    %swap3A_170 = arith.constant 0 : index
    %swap3A_171 = vector.load %arg5[%swap3A_168, %swap3A_169, %swap3A_170] : memref<1x16x576xi32, #tpu.memory_space<vmem>>, vector<1x1x576xi32>
    %swap3A_172 = vector.shape_cast %swap3A_171 : vector<1x1x576xi32> to vector<576xi32>
    %swap3A_173 = vector.shape_cast %convert_element_type3A_167 : vector<576xi32> to vector<1x1x576xi32>
    tpu.vector_store %arg5[%swap3A_168, %swap3A_169, %swap3A_170], %swap3A_173 {strides = array<i32>} : memref<1x16x576xi32, #tpu.memory_space<vmem>>, vector<1x1x576xi32>,
    %get3A_174 = arith.constant 5 : index
    %get3A_175 = arith.constant 0 : index
    %get3A_176 = arith.constant 0 : index
    %get3A_177 = vector.load %arg1[%get3A_174, %get3A_175, %get3A_176] : memref<16x64x576xf32, #tpu.memory_space<vmem>>, vector<1x64x576xf32>
    %get3A_178 = vector.shape_cast %get3A_177 : vector<1x64x576xf32> to vector<64x576xf32>
    %transpose3A_179 = tpu.transpose %get3A_178, [1, 0] : vector<64x576xf32> -> vector<576x64xf32>
    %dot_general3A_180 = arith.constant dense<0.000000e+00> : vector<576x1024xf32>
    %dot_general3A_181 = tpu.matmul %transpose3A_179, %get3A_1, %dot_general3A_180 {dimension_numbers = #tpu.dot_dimension_numbers<[1], [1], [0], [0], [0, 0, 1, 0], [], []>, transpose_lhs_hint = false} : vector<576x64xf32>, vector<1024x64xf32>, vector<576x1024xf32> -> vector<576x1024xf32>
    %mul3A_182 = arith.mulf %transpose3A_179, %transpose3A_179 : vector<576x64xf32>
    %reduce_sum3A_183 = arith.constant dense<0.000000e+00> : vector<576xf32>
    %reduce_sum3A_184 = vector.multi_reduction <add>, %mul3A_182, %reduce_sum3A_183 [1] : vector<576x64xf32> to vector<576xf32>
    %broadcast_in_dim3A_185 = vector.shape_cast %reduce_sum3A_184 : vector<576xf32> to vector<576x1xf32>
    %mul3A_186 = arith.constant 2.000000e+00 : f32
    %mul3A_187 = vector.broadcast %mul3A_186 : f32 to vector<576x1024xf32>
    %mul3A_188 = arith.mulf %mul3A_187, %dot_general3A_181 : vector<576x1024xf32>
    %sub3A_189 = vector.broadcast %broadcast_in_dim3A_185 : vector<576x1xf32> to vector<576x1024xf32>
    %sub3A_190 = arith.subf %sub3A_189, %mul3A_188 : vector<576x1024xf32>
    %add3A_191 = vector.broadcast %broadcast_in_dim3A : vector<1x1024xf32> to vector<576x1024xf32>
    %add3A_192 = arith.addf %sub3A_190, %add3A_191 : vector<576x1024xf32>
    %reduce_min3A_193 = arith.constant dense<0x7F800000> : vector<576xf32>
    %reduce_min3A_194 = vector.multi_reduction <minimumf>, %add3A_192, %reduce_min3A_193 [1] : vector<576x1024xf32> to vector<576xf32>
    %broadcast_in_dim3A_195 = vector.shape_cast %reduce_min3A_194 : vector<576xf32> to vector<576x1xf32>
    %eq3A_196 = vector.broadcast %broadcast_in_dim3A_195 : vector<576x1xf32> to vector<576x1024xf32>
    %eq3A_197 = arith.cmpf oeq, %add3A_192, %eq3A_196 : vector<576x1024xf32>
    %jit3A_198 = arith.constant 1.024000e+03 : f32
    %broadcast_in_dim3A_199 = vector.broadcast %jit3A_198 : f32 to vector<576x1024xf32>
    %select_n3A_200 = arith.select %eq3A_197, %convert_element_type3A, %broadcast_in_dim3A_199 : vector<576x1024xi1>, vector<576x1024xf32>
    %reduce_min3A_201 = arith.constant dense<0x7F800000> : vector<576xf32>
    %reduce_min3A_202 = vector.multi_reduction <minimumf>, %select_n3A_200, %reduce_min3A_201 [1] : vector<576x1024xf32> to vector<576xf32>
    %convert_element_type3A_203 = arith.fptosi %reduce_min3A_202 : vector<576xf32> to vector<576xi32>
    %swap3A_204 = arith.constant 0 : index
    %swap3A_205 = arith.constant 5 : index
    %swap3A_206 = arith.constant 0 : index
    %swap3A_207 = vector.load %arg5[%swap3A_204, %swap3A_205, %swap3A_206] : memref<1x16x576xi32, #tpu.memory_space<vmem>>, vector<1x1x576xi32>
    %swap3A_208 = vector.shape_cast %swap3A_207 : vector<1x1x576xi32> to vector<576xi32>
    %swap3A_209 = vector.shape_cast %convert_element_type3A_203 : vector<576xi32> to vector<1x1x576xi32>
    tpu.vector_store %arg5[%swap3A_204, %swap3A_205, %swap3A_206], %swap3A_209 {strides = array<i32>} : memref<1x16x576xi32, #tpu.memory_space<vmem>>, vector<1x1x576xi32>,
    %get3A_210 = arith.constant 6 : index
    %get3A_211 = arith.constant 0 : index
    %get3A_212 = arith.constant 0 : index
    %get3A_213 = vector.load %arg1[%get3A_210, %get3A_211, %get3A_212] : memref<16x64x576xf32, #tpu.memory_space<vmem>>, vector<1x64x576xf32>
    %get3A_214 = vector.shape_cast %get3A_213 : vector<1x64x576xf32> to vector<64x576xf32>
    %transpose3A_215 = tpu.transpose %get3A_214, [1, 0] : vector<64x576xf32> -> vector<576x64xf32>
    %dot_general3A_216 = arith.constant dense<0.000000e+00> : vector<576x1024xf32>
    %dot_general3A_217 = tpu.matmul %transpose3A_215, %get3A_1, %dot_general3A_216 {dimension_numbers = #tpu.dot_dimension_numbers<[1], [1], [0], [0], [0, 0, 1, 0], [], []>, transpose_lhs_hint = false} : vector<576x64xf32>, vector<1024x64xf32>, vector<576x1024xf32> -> vector<576x1024xf32>
    %mul3A_218 = arith.mulf %transpose3A_215, %transpose3A_215 : vector<576x64xf32>
    %reduce_sum3A_219 = arith.constant dense<0.000000e+00> : vector<576xf32>
    %reduce_sum3A_220 = vector.multi_reduction <add>, %mul3A_218, %reduce_sum3A_219 [1] : vector<576x64xf32> to vector<576xf32>
    %broadcast_in_dim3A_221 = vector.shape_cast %reduce_sum3A_220 : vector<576xf32> to vector<576x1xf32>
    %mul3A_222 = arith.constant 2.000000e+00 : f32
    %mul3A_223 = vector.broadcast %mul3A_222 : f32 to vector<576x1024xf32>
    %mul3A_224 = arith.mulf %mul3A_223, %dot_general3A_217 : vector<576x1024xf32>
    %sub3A_225 = vector.broadcast %broadcast_in_dim3A_221 : vector<576x1xf32> to vector<576x1024xf32>
    %sub3A_226 = arith.subf %sub3A_225, %mul3A_224 : vector<576x1024xf32>
    %add3A_227 = vector.broadcast %broadcast_in_dim3A : vector<1x1024xf32> to vector<576x1024xf32>
    %add3A_228 = arith.addf %sub3A_226, %add3A_227 : vector<576x1024xf32>
    %reduce_min3A_229 = arith.constant dense<0x7F800000> : vector<576xf32>
    %reduce_min3A_230 = vector.multi_reduction <minimumf>, %add3A_228, %reduce_min3A_229 [1] : vector<576x1024xf32> to vector<576xf32>
    %broadcast_in_dim3A_231 = vector.shape_cast %reduce_min3A_230 : vector<576xf32> to vector<576x1xf32>
    %eq3A_232 = vector.broadcast %broadcast_in_dim3A_231 : vector<576x1xf32> to vector<576x1024xf32>
    %eq3A_233 = arith.cmpf oeq, %add3A_228, %eq3A_232 : vector<576x1024xf32>
    %jit3A_234 = arith.constant 1.024000e+03 : f32
    %broadcast_in_dim3A_235 = vector.broadcast %jit3A_234 : f32 to vector<576x1024xf32>
    %select_n3A_236 = arith.select %eq3A_233, %convert_element_type3A, %broadcast_in_dim3A_235 : vector<576x1024xi1>, vector<576x1024xf32>
    %reduce_min3A_237 = arith.constant dense<0x7F800000> : vector<576xf32>
    %reduce_min3A_238 = vector.multi_reduction <minimumf>, %select_n3A_236, %reduce_min3A_237 [1] : vector<576x1024xf32> to vector<576xf32>
    %convert_element_type3A_239 = arith.fptosi %reduce_min3A_238 : vector<576xf32> to vector<576xi32>
    %swap3A_240 = arith.constant 0 : index
    %swap3A_241 = arith.constant 6 : index
    %swap3A_242 = arith.constant 0 : index
    %swap3A_243 = vector.load %arg5[%swap3A_240, %swap3A_241, %swap3A_242] : memref<1x16x576xi32, #tpu.memory_space<vmem>>, vector<1x1x576xi32>
    %swap3A_244 = vector.shape_cast %swap3A_243 : vector<1x1x576xi32> to vector<576xi32>
    %swap3A_245 = vector.shape_cast %convert_element_type3A_239 : vector<576xi32> to vector<1x1x576xi32>
    tpu.vector_store %arg5[%swap3A_240, %swap3A_241, %swap3A_242], %swap3A_245 {strides = array<i32>} : memref<1x16x576xi32, #tpu.memory_space<vmem>>, vector<1x1x576xi32>,
    %get3A_246 = arith.constant 7 : index
    %get3A_247 = arith.constant 0 : index
    %get3A_248 = arith.constant 0 : index
    %get3A_249 = vector.load %arg1[%get3A_246, %get3A_247, %get3A_248] : memref<16x64x576xf32, #tpu.memory_space<vmem>>, vector<1x64x576xf32>
    %get3A_250 = vector.shape_cast %get3A_249 : vector<1x64x576xf32> to vector<64x576xf32>
    %transpose3A_251 = tpu.transpose %get3A_250, [1, 0] : vector<64x576xf32> -> vector<576x64xf32>
    %dot_general3A_252 = arith.constant dense<0.000000e+00> : vector<576x1024xf32>
    %dot_general3A_253 = tpu.matmul %transpose3A_251, %get3A_1, %dot_general3A_252 {dimension_numbers = #tpu.dot_dimension_numbers<[1], [1], [0], [0], [0, 0, 1, 0], [], []>, transpose_lhs_hint = false} : vector<576x64xf32>, vector<1024x64xf32>, vector<576x1024xf32> -> vector<576x1024xf32>
    %mul3A_254 = arith.mulf %transpose3A_251, %transpose3A_251 : vector<576x64xf32>
    %reduce_sum3A_255 = arith.constant dense<0.000000e+00> : vector<576xf32>
    %reduce_sum3A_256 = vector.multi_reduction <add>, %mul3A_254, %reduce_sum3A_255 [1] : vector<576x64xf32> to vector<576xf32>
    %broadcast_in_dim3A_257 = vector.shape_cast %reduce_sum3A_256 : vector<576xf32> to vector<576x1xf32>
    %mul3A_258 = arith.constant 2.000000e+00 : f32
    %mul3A_259 = vector.broadcast %mul3A_258 : f32 to vector<576x1024xf32>
    %mul3A_260 = arith.mulf %mul3A_259, %dot_general3A_253 : vector<576x1024xf32>
    %sub3A_261 = vector.broadcast %broadcast_in_dim3A_257 : vector<576x1xf32> to vector<576x1024xf32>
    %sub3A_262 = arith.subf %sub3A_261, %mul3A_260 : vector<576x1024xf32>
    %add3A_263 = vector.broadcast %broadcast_in_dim3A : vector<1x1024xf32> to vector<576x1024xf32>
    %add3A_264 = arith.addf %sub3A_262, %add3A_263 : vector<576x1024xf32>
    %reduce_min3A_265 = arith.constant dense<0x7F800000> : vector<576xf32>
    %reduce_min3A_266 = vector.multi_reduction <minimumf>, %add3A_264, %reduce_min3A_265 [1] : vector<576x1024xf32> to vector<576xf32>
    %broadcast_in_dim3A_267 = vector.shape_cast %reduce_min3A_266 : vector<576xf32> to vector<576x1xf32>
    %eq3A_268 = vector.broadcast %broadcast_in_dim3A_267 : vector<576x1xf32> to vector<576x1024xf32>
    %eq3A_269 = arith.cmpf oeq, %add3A_264, %eq3A_268 : vector<576x1024xf32>
    %jit3A_270 = arith.constant 1.024000e+03 : f32
    %broadcast_in_dim3A_271 = vector.broadcast %jit3A_270 : f32 to vector<576x1024xf32>
    %select_n3A_272 = arith.select %eq3A_269, %convert_element_type3A, %broadcast_in_dim3A_271 : vector<576x1024xi1>, vector<576x1024xf32>
    %reduce_min3A_273 = arith.constant dense<0x7F800000> : vector<576xf32>
    %reduce_min3A_274 = vector.multi_reduction <minimumf>, %select_n3A_272, %reduce_min3A_273 [1] : vector<576x1024xf32> to vector<576xf32>
    %convert_element_type3A_275 = arith.fptosi %reduce_min3A_274 : vector<576xf32> to vector<576xi32>
    %swap3A_276 = arith.constant 0 : index
    %swap3A_277 = arith.constant 7 : index
    %swap3A_278 = arith.constant 0 : index
    %swap3A_279 = vector.load %arg5[%swap3A_276, %swap3A_277, %swap3A_278] : memref<1x16x576xi32, #tpu.memory_space<vmem>>, vector<1x1x576xi32>
    %swap3A_280 = vector.shape_cast %swap3A_279 : vector<1x1x576xi32> to vector<576xi32>
    %swap3A_281 = vector.shape_cast %convert_element_type3A_275 : vector<576xi32> to vector<1x1x576xi32>
    tpu.vector_store %arg5[%swap3A_276, %swap3A_277, %swap3A_278], %swap3A_281 {strides = array<i32>} : memref<1x16x576xi32, #tpu.memory_space<vmem>>, vector<1x1x576xi32>,
    %get3A_282 = arith.constant 8 : index
    %get3A_283 = arith.constant 0 : index
    %get3A_284 = arith.constant 0 : index
    %get3A_285 = vector.load %arg1[%get3A_282, %get3A_283, %get3A_284] : memref<16x64x576xf32, #tpu.memory_space<vmem>>, vector<1x64x576xf32>
    %get3A_286 = vector.shape_cast %get3A_285 : vector<1x64x576xf32> to vector<64x576xf32>
    %transpose3A_287 = tpu.transpose %get3A_286, [1, 0] : vector<64x576xf32> -> vector<576x64xf32>
    %dot_general3A_288 = arith.constant dense<0.000000e+00> : vector<576x1024xf32>
    %dot_general3A_289 = tpu.matmul %transpose3A_287, %get3A_1, %dot_general3A_288 {dimension_numbers = #tpu.dot_dimension_numbers<[1], [1], [0], [0], [0, 0, 1, 0], [], []>, transpose_lhs_hint = false} : vector<576x64xf32>, vector<1024x64xf32>, vector<576x1024xf32> -> vector<576x1024xf32>
    %mul3A_290 = arith.mulf %transpose3A_287, %transpose3A_287 : vector<576x64xf32>
    %reduce_sum3A_291 = arith.constant dense<0.000000e+00> : vector<576xf32>
    %reduce_sum3A_292 = vector.multi_reduction <add>, %mul3A_290, %reduce_sum3A_291 [1] : vector<576x64xf32> to vector<576xf32>
    %broadcast_in_dim3A_293 = vector.shape_cast %reduce_sum3A_292 : vector<576xf32> to vector<576x1xf32>
    %mul3A_294 = arith.constant 2.000000e+00 : f32
    %mul3A_295 = vector.broadcast %mul3A_294 : f32 to vector<576x1024xf32>
    %mul3A_296 = arith.mulf %mul3A_295, %dot_general3A_289 : vector<576x1024xf32>
    %sub3A_297 = vector.broadcast %broadcast_in_dim3A_293 : vector<576x1xf32> to vector<576x1024xf32>
    %sub3A_298 = arith.subf %sub3A_297, %mul3A_296 : vector<576x1024xf32>
    %add3A_299 = vector.broadcast %broadcast_in_dim3A : vector<1x1024xf32> to vector<576x1024xf32>
    %add3A_300 = arith.addf %sub3A_298, %add3A_299 : vector<576x1024xf32>
    %reduce_min3A_301 = arith.constant dense<0x7F800000> : vector<576xf32>
    %reduce_min3A_302 = vector.multi_reduction <minimumf>, %add3A_300, %reduce_min3A_301 [1] : vector<576x1024xf32> to vector<576xf32>
    %broadcast_in_dim3A_303 = vector.shape_cast %reduce_min3A_302 : vector<576xf32> to vector<576x1xf32>
    %eq3A_304 = vector.broadcast %broadcast_in_dim3A_303 : vector<576x1xf32> to vector<576x1024xf32>
    %eq3A_305 = arith.cmpf oeq, %add3A_300, %eq3A_304 : vector<576x1024xf32>
    %jit3A_306 = arith.constant 1.024000e+03 : f32
    %broadcast_in_dim3A_307 = vector.broadcast %jit3A_306 : f32 to vector<576x1024xf32>
    %select_n3A_308 = arith.select %eq3A_305, %convert_element_type3A, %broadcast_in_dim3A_307 : vector<576x1024xi1>, vector<576x1024xf32>
    %reduce_min3A_309 = arith.constant dense<0x7F800000> : vector<576xf32>
    %reduce_min3A_310 = vector.multi_reduction <minimumf>, %select_n3A_308, %reduce_min3A_309 [1] : vector<576x1024xf32> to vector<576xf32>
    %convert_element_type3A_311 = arith.fptosi %reduce_min3A_310 : vector<576xf32> to vector<576xi32>
    %swap3A_312 = arith.constant 0 : index
    %swap3A_313 = arith.constant 8 : index
    %swap3A_314 = arith.constant 0 : index
    %swap3A_315 = vector.load %arg5[%swap3A_312, %swap3A_313, %swap3A_314] : memref<1x16x576xi32, #tpu.memory_space<vmem>>, vector<1x1x576xi32>
    %swap3A_316 = vector.shape_cast %swap3A_315 : vector<1x1x576xi32> to vector<576xi32>
    %swap3A_317 = vector.shape_cast %convert_element_type3A_311 : vector<576xi32> to vector<1x1x576xi32>
    tpu.vector_store %arg5[%swap3A_312, %swap3A_313, %swap3A_314], %swap3A_317 {strides = array<i32>} : memref<1x16x576xi32, #tpu.memory_space<vmem>>, vector<1x1x576xi32>,
    %get3A_318 = arith.constant 9 : index
    %get3A_319 = arith.constant 0 : index
    %get3A_320 = arith.constant 0 : index
    %get3A_321 = vector.load %arg1[%get3A_318, %get3A_319, %get3A_320] : memref<16x64x576xf32, #tpu.memory_space<vmem>>, vector<1x64x576xf32>
    %get3A_322 = vector.shape_cast %get3A_321 : vector<1x64x576xf32> to vector<64x576xf32>
    %transpose3A_323 = tpu.transpose %get3A_322, [1, 0] : vector<64x576xf32> -> vector<576x64xf32>
    %dot_general3A_324 = arith.constant dense<0.000000e+00> : vector<576x1024xf32>
    %dot_general3A_325 = tpu.matmul %transpose3A_323, %get3A_1, %dot_general3A_324 {dimension_numbers = #tpu.dot_dimension_numbers<[1], [1], [0], [0], [0, 0, 1, 0], [], []>, transpose_lhs_hint = false} : vector<576x64xf32>, vector<1024x64xf32>, vector<576x1024xf32> -> vector<576x1024xf32>
    %mul3A_326 = arith.mulf %transpose3A_323, %transpose3A_323 : vector<576x64xf32>
    %reduce_sum3A_327 = arith.constant dense<0.000000e+00> : vector<576xf32>
    %reduce_sum3A_328 = vector.multi_reduction <add>, %mul3A_326, %reduce_sum3A_327 [1] : vector<576x64xf32> to vector<576xf32>
    %broadcast_in_dim3A_329 = vector.shape_cast %reduce_sum3A_328 : vector<576xf32> to vector<576x1xf32>
    %mul3A_330 = arith.constant 2.000000e+00 : f32
    %mul3A_331 = vector.broadcast %mul3A_330 : f32 to vector<576x1024xf32>
    %mul3A_332 = arith.mulf %mul3A_331, %dot_general3A_325 : vector<576x1024xf32>
    %sub3A_333 = vector.broadcast %broadcast_in_dim3A_329 : vector<576x1xf32> to vector<576x1024xf32>
    %sub3A_334 = arith.subf %sub3A_333, %mul3A_332 : vector<576x1024xf32>
    %add3A_335 = vector.broadcast %broadcast_in_dim3A : vector<1x1024xf32> to vector<576x1024xf32>
    %add3A_336 = arith.addf %sub3A_334, %add3A_335 : vector<576x1024xf32>
    %reduce_min3A_337 = arith.constant dense<0x7F800000> : vector<576xf32>
    %reduce_min3A_338 = vector.multi_reduction <minimumf>, %add3A_336, %reduce_min3A_337 [1] : vector<576x1024xf32> to vector<576xf32>
    %broadcast_in_dim3A_339 = vector.shape_cast %reduce_min3A_338 : vector<576xf32> to vector<576x1xf32>
    %eq3A_340 = vector.broadcast %broadcast_in_dim3A_339 : vector<576x1xf32> to vector<576x1024xf32>
    %eq3A_341 = arith.cmpf oeq, %add3A_336, %eq3A_340 : vector<576x1024xf32>
    %jit3A_342 = arith.constant 1.024000e+03 : f32
    %broadcast_in_dim3A_343 = vector.broadcast %jit3A_342 : f32 to vector<576x1024xf32>
    %select_n3A_344 = arith.select %eq3A_341, %convert_element_type3A, %broadcast_in_dim3A_343 : vector<576x1024xi1>, vector<576x1024xf32>
    %reduce_min3A_345 = arith.constant dense<0x7F800000> : vector<576xf32>
    %reduce_min3A_346 = vector.multi_reduction <minimumf>, %select_n3A_344, %reduce_min3A_345 [1] : vector<576x1024xf32> to vector<576xf32>
    %convert_element_type3A_347 = arith.fptosi %reduce_min3A_346 : vector<576xf32> to vector<576xi32>
    %swap3A_348 = arith.constant 0 : index
    %swap3A_349 = arith.constant 9 : index
    %swap3A_350 = arith.constant 0 : index
    %swap3A_351 = vector.load %arg5[%swap3A_348, %swap3A_349, %swap3A_350] : memref<1x16x576xi32, #tpu.memory_space<vmem>>, vector<1x1x576xi32>
    %swap3A_352 = vector.shape_cast %swap3A_351 : vector<1x1x576xi32> to vector<576xi32>
    %swap3A_353 = vector.shape_cast %convert_element_type3A_347 : vector<576xi32> to vector<1x1x576xi32>
    tpu.vector_store %arg5[%swap3A_348, %swap3A_349, %swap3A_350], %swap3A_353 {strides = array<i32>} : memref<1x16x576xi32, #tpu.memory_space<vmem>>, vector<1x1x576xi32>,
    %get3A_354 = arith.constant 10 : index
    %get3A_355 = arith.constant 0 : index
    %get3A_356 = arith.constant 0 : index
    %get3A_357 = vector.load %arg1[%get3A_354, %get3A_355, %get3A_356] : memref<16x64x576xf32, #tpu.memory_space<vmem>>, vector<1x64x576xf32>
    %get3A_358 = vector.shape_cast %get3A_357 : vector<1x64x576xf32> to vector<64x576xf32>
    %transpose3A_359 = tpu.transpose %get3A_358, [1, 0] : vector<64x576xf32> -> vector<576x64xf32>
    %dot_general3A_360 = arith.constant dense<0.000000e+00> : vector<576x1024xf32>
    %dot_general3A_361 = tpu.matmul %transpose3A_359, %get3A_1, %dot_general3A_360 {dimension_numbers = #tpu.dot_dimension_numbers<[1], [1], [0], [0], [0, 0, 1, 0], [], []>, transpose_lhs_hint = false} : vector<576x64xf32>, vector<1024x64xf32>, vector<576x1024xf32> -> vector<576x1024xf32>
    %mul3A_362 = arith.mulf %transpose3A_359, %transpose3A_359 : vector<576x64xf32>
    %reduce_sum3A_363 = arith.constant dense<0.000000e+00> : vector<576xf32>
    %reduce_sum3A_364 = vector.multi_reduction <add>, %mul3A_362, %reduce_sum3A_363 [1] : vector<576x64xf32> to vector<576xf32>
    %broadcast_in_dim3A_365 = vector.shape_cast %reduce_sum3A_364 : vector<576xf32> to vector<576x1xf32>
    %mul3A_366 = arith.constant 2.000000e+00 : f32
    %mul3A_367 = vector.broadcast %mul3A_366 : f32 to vector<576x1024xf32>
    %mul3A_368 = arith.mulf %mul3A_367, %dot_general3A_361 : vector<576x1024xf32>
    %sub3A_369 = vector.broadcast %broadcast_in_dim3A_365 : vector<576x1xf32> to vector<576x1024xf32>
    %sub3A_370 = arith.subf %sub3A_369, %mul3A_368 : vector<576x1024xf32>
    %add3A_371 = vector.broadcast %broadcast_in_dim3A : vector<1x1024xf32> to vector<576x1024xf32>
    %add3A_372 = arith.addf %sub3A_370, %add3A_371 : vector<576x1024xf32>
    %reduce_min3A_373 = arith.constant dense<0x7F800000> : vector<576xf32>
    %reduce_min3A_374 = vector.multi_reduction <minimumf>, %add3A_372, %reduce_min3A_373 [1] : vector<576x1024xf32> to vector<576xf32>
    %broadcast_in_dim3A_375 = vector.shape_cast %reduce_min3A_374 : vector<576xf32> to vector<576x1xf32>
    %eq3A_376 = vector.broadcast %broadcast_in_dim3A_375 : vector<576x1xf32> to vector<576x1024xf32>
    %eq3A_377 = arith.cmpf oeq, %add3A_372, %eq3A_376 : vector<576x1024xf32>
    %jit3A_378 = arith.constant 1.024000e+03 : f32
    %broadcast_in_dim3A_379 = vector.broadcast %jit3A_378 : f32 to vector<576x1024xf32>
    %select_n3A_380 = arith.select %eq3A_377, %convert_element_type3A, %broadcast_in_dim3A_379 : vector<576x1024xi1>, vector<576x1024xf32>
    %reduce_min3A_381 = arith.constant dense<0x7F800000> : vector<576xf32>
    %reduce_min3A_382 = vector.multi_reduction <minimumf>, %select_n3A_380, %reduce_min3A_381 [1] : vector<576x1024xf32> to vector<576xf32>
    %convert_element_type3A_383 = arith.fptosi %reduce_min3A_382 : vector<576xf32> to vector<576xi32>
    %swap3A_384 = arith.constant 0 : index
    %swap3A_385 = arith.constant 10 : index
    %swap3A_386 = arith.constant 0 : index
    %swap3A_387 = vector.load %arg5[%swap3A_384, %swap3A_385, %swap3A_386] : memref<1x16x576xi32, #tpu.memory_space<vmem>>, vector<1x1x576xi32>
    %swap3A_388 = vector.shape_cast %swap3A_387 : vector<1x1x576xi32> to vector<576xi32>
    %swap3A_389 = vector.shape_cast %convert_element_type3A_383 : vector<576xi32> to vector<1x1x576xi32>
    tpu.vector_store %arg5[%swap3A_384, %swap3A_385, %swap3A_386], %swap3A_389 {strides = array<i32>} : memref<1x16x576xi32, #tpu.memory_space<vmem>>, vector<1x1x576xi32>,
    %get3A_390 = arith.constant 11 : index
    %get3A_391 = arith.constant 0 : index
    %get3A_392 = arith.constant 0 : index
    %get3A_393 = vector.load %arg1[%get3A_390, %get3A_391, %get3A_392] : memref<16x64x576xf32, #tpu.memory_space<vmem>>, vector<1x64x576xf32>
    %get3A_394 = vector.shape_cast %get3A_393 : vector<1x64x576xf32> to vector<64x576xf32>
    %transpose3A_395 = tpu.transpose %get3A_394, [1, 0] : vector<64x576xf32> -> vector<576x64xf32>
    %dot_general3A_396 = arith.constant dense<0.000000e+00> : vector<576x1024xf32>
    %dot_general3A_397 = tpu.matmul %transpose3A_395, %get3A_1, %dot_general3A_396 {dimension_numbers = #tpu.dot_dimension_numbers<[1], [1], [0], [0], [0, 0, 1, 0], [], []>, transpose_lhs_hint = false} : vector<576x64xf32>, vector<1024x64xf32>, vector<576x1024xf32> -> vector<576x1024xf32>
    %mul3A_398 = arith.mulf %transpose3A_395, %transpose3A_395 : vector<576x64xf32>
    %reduce_sum3A_399 = arith.constant dense<0.000000e+00> : vector<576xf32>
    %reduce_sum3A_400 = vector.multi_reduction <add>, %mul3A_398, %reduce_sum3A_399 [1] : vector<576x64xf32> to vector<576xf32>
    %broadcast_in_dim3A_401 = vector.shape_cast %reduce_sum3A_400 : vector<576xf32> to vector<576x1xf32>
    %mul3A_402 = arith.constant 2.000000e+00 : f32
    %mul3A_403 = vector.broadcast %mul3A_402 : f32 to vector<576x1024xf32>
    %mul3A_404 = arith.mulf %mul3A_403, %dot_general3A_397 : vector<576x1024xf32>
    %sub3A_405 = vector.broadcast %broadcast_in_dim3A_401 : vector<576x1xf32> to vector<576x1024xf32>
    %sub3A_406 = arith.subf %sub3A_405, %mul3A_404 : vector<576x1024xf32>
    %add3A_407 = vector.broadcast %broadcast_in_dim3A : vector<1x1024xf32> to vector<576x1024xf32>
    %add3A_408 = arith.addf %sub3A_406, %add3A_407 : vector<576x1024xf32>
    %reduce_min3A_409 = arith.constant dense<0x7F800000> : vector<576xf32>
    %reduce_min3A_410 = vector.multi_reduction <minimumf>, %add3A_408, %reduce_min3A_409 [1] : vector<576x1024xf32> to vector<576xf32>
    %broadcast_in_dim3A_411 = vector.shape_cast %reduce_min3A_410 : vector<576xf32> to vector<576x1xf32>
    %eq3A_412 = vector.broadcast %broadcast_in_dim3A_411 : vector<576x1xf32> to vector<576x1024xf32>
    %eq3A_413 = arith.cmpf oeq, %add3A_408, %eq3A_412 : vector<576x1024xf32>
    %jit3A_414 = arith.constant 1.024000e+03 : f32
    %broadcast_in_dim3A_415 = vector.broadcast %jit3A_414 : f32 to vector<576x1024xf32>
    %select_n3A_416 = arith.select %eq3A_413, %convert_element_type3A, %broadcast_in_dim3A_415 : vector<576x1024xi1>, vector<576x1024xf32>
    %reduce_min3A_417 = arith.constant dense<0x7F800000> : vector<576xf32>
    %reduce_min3A_418 = vector.multi_reduction <minimumf>, %select_n3A_416, %reduce_min3A_417 [1] : vector<576x1024xf32> to vector<576xf32>
    %convert_element_type3A_419 = arith.fptosi %reduce_min3A_418 : vector<576xf32> to vector<576xi32>
    %swap3A_420 = arith.constant 0 : index
    %swap3A_421 = arith.constant 11 : index
    %swap3A_422 = arith.constant 0 : index
    %swap3A_423 = vector.load %arg5[%swap3A_420, %swap3A_421, %swap3A_422] : memref<1x16x576xi32, #tpu.memory_space<vmem>>, vector<1x1x576xi32>
    %swap3A_424 = vector.shape_cast %swap3A_423 : vector<1x1x576xi32> to vector<576xi32>
    %swap3A_425 = vector.shape_cast %convert_element_type3A_419 : vector<576xi32> to vector<1x1x576xi32>
    tpu.vector_store %arg5[%swap3A_420, %swap3A_421, %swap3A_422], %swap3A_425 {strides = array<i32>} : memref<1x16x576xi32, #tpu.memory_space<vmem>>, vector<1x1x576xi32>,
    %get3A_426 = arith.constant 12 : index
    %get3A_427 = arith.constant 0 : index
    %get3A_428 = arith.constant 0 : index
    %get3A_429 = vector.load %arg1[%get3A_426, %get3A_427, %get3A_428] : memref<16x64x576xf32, #tpu.memory_space<vmem>>, vector<1x64x576xf32>
    %get3A_430 = vector.shape_cast %get3A_429 : vector<1x64x576xf32> to vector<64x576xf32>
    %transpose3A_431 = tpu.transpose %get3A_430, [1, 0] : vector<64x576xf32> -> vector<576x64xf32>
    %dot_general3A_432 = arith.constant dense<0.000000e+00> : vector<576x1024xf32>
    %dot_general3A_433 = tpu.matmul %transpose3A_431, %get3A_1, %dot_general3A_432 {dimension_numbers = #tpu.dot_dimension_numbers<[1], [1], [0], [0], [0, 0, 1, 0], [], []>, transpose_lhs_hint = false} : vector<576x64xf32>, vector<1024x64xf32>, vector<576x1024xf32> -> vector<576x1024xf32>
    %mul3A_434 = arith.mulf %transpose3A_431, %transpose3A_431 : vector<576x64xf32>
    %reduce_sum3A_435 = arith.constant dense<0.000000e+00> : vector<576xf32>
    %reduce_sum3A_436 = vector.multi_reduction <add>, %mul3A_434, %reduce_sum3A_435 [1] : vector<576x64xf32> to vector<576xf32>
    %broadcast_in_dim3A_437 = vector.shape_cast %reduce_sum3A_436 : vector<576xf32> to vector<576x1xf32>
    %mul3A_438 = arith.constant 2.000000e+00 : f32
    %mul3A_439 = vector.broadcast %mul3A_438 : f32 to vector<576x1024xf32>
    %mul3A_440 = arith.mulf %mul3A_439, %dot_general3A_433 : vector<576x1024xf32>
    %sub3A_441 = vector.broadcast %broadcast_in_dim3A_437 : vector<576x1xf32> to vector<576x1024xf32>
    %sub3A_442 = arith.subf %sub3A_441, %mul3A_440 : vector<576x1024xf32>
    %add3A_443 = vector.broadcast %broadcast_in_dim3A : vector<1x1024xf32> to vector<576x1024xf32>
    %add3A_444 = arith.addf %sub3A_442, %add3A_443 : vector<576x1024xf32>
    %reduce_min3A_445 = arith.constant dense<0x7F800000> : vector<576xf32>
    %reduce_min3A_446 = vector.multi_reduction <minimumf>, %add3A_444, %reduce_min3A_445 [1] : vector<576x1024xf32> to vector<576xf32>
    %broadcast_in_dim3A_447 = vector.shape_cast %reduce_min3A_446 : vector<576xf32> to vector<576x1xf32>
    %eq3A_448 = vector.broadcast %broadcast_in_dim3A_447 : vector<576x1xf32> to vector<576x1024xf32>
    %eq3A_449 = arith.cmpf oeq, %add3A_444, %eq3A_448 : vector<576x1024xf32>
    %jit3A_450 = arith.constant 1.024000e+03 : f32
    %broadcast_in_dim3A_451 = vector.broadcast %jit3A_450 : f32 to vector<576x1024xf32>
    %select_n3A_452 = arith.select %eq3A_449, %convert_element_type3A, %broadcast_in_dim3A_451 : vector<576x1024xi1>, vector<576x1024xf32>
    %reduce_min3A_453 = arith.constant dense<0x7F800000> : vector<576xf32>
    %reduce_min3A_454 = vector.multi_reduction <minimumf>, %select_n3A_452, %reduce_min3A_453 [1] : vector<576x1024xf32> to vector<576xf32>
    %convert_element_type3A_455 = arith.fptosi %reduce_min3A_454 : vector<576xf32> to vector<576xi32>
    %swap3A_456 = arith.constant 0 : index
    %swap3A_457 = arith.constant 12 : index
    %swap3A_458 = arith.constant 0 : index
    %swap3A_459 = vector.load %arg5[%swap3A_456, %swap3A_457, %swap3A_458] : memref<1x16x576xi32, #tpu.memory_space<vmem>>, vector<1x1x576xi32>
    %swap3A_460 = vector.shape_cast %swap3A_459 : vector<1x1x576xi32> to vector<576xi32>
    %swap3A_461 = vector.shape_cast %convert_element_type3A_455 : vector<576xi32> to vector<1x1x576xi32>
    tpu.vector_store %arg5[%swap3A_456, %swap3A_457, %swap3A_458], %swap3A_461 {strides = array<i32>} : memref<1x16x576xi32, #tpu.memory_space<vmem>>, vector<1x1x576xi32>,
    %get3A_462 = arith.constant 13 : index
    %get3A_463 = arith.constant 0 : index
    %get3A_464 = arith.constant 0 : index
    %get3A_465 = vector.load %arg1[%get3A_462, %get3A_463, %get3A_464] : memref<16x64x576xf32, #tpu.memory_space<vmem>>, vector<1x64x576xf32>
    %get3A_466 = vector.shape_cast %get3A_465 : vector<1x64x576xf32> to vector<64x576xf32>
    %transpose3A_467 = tpu.transpose %get3A_466, [1, 0] : vector<64x576xf32> -> vector<576x64xf32>
    %dot_general3A_468 = arith.constant dense<0.000000e+00> : vector<576x1024xf32>
    %dot_general3A_469 = tpu.matmul %transpose3A_467, %get3A_1, %dot_general3A_468 {dimension_numbers = #tpu.dot_dimension_numbers<[1], [1], [0], [0], [0, 0, 1, 0], [], []>, transpose_lhs_hint = false} : vector<576x64xf32>, vector<1024x64xf32>, vector<576x1024xf32> -> vector<576x1024xf32>
    %mul3A_470 = arith.mulf %transpose3A_467, %transpose3A_467 : vector<576x64xf32>
    %reduce_sum3A_471 = arith.constant dense<0.000000e+00> : vector<576xf32>
    %reduce_sum3A_472 = vector.multi_reduction <add>, %mul3A_470, %reduce_sum3A_471 [1] : vector<576x64xf32> to vector<576xf32>
    %broadcast_in_dim3A_473 = vector.shape_cast %reduce_sum3A_472 : vector<576xf32> to vector<576x1xf32>
    %mul3A_474 = arith.constant 2.000000e+00 : f32
    %mul3A_475 = vector.broadcast %mul3A_474 : f32 to vector<576x1024xf32>
    %mul3A_476 = arith.mulf %mul3A_475, %dot_general3A_469 : vector<576x1024xf32>
    %sub3A_477 = vector.broadcast %broadcast_in_dim3A_473 : vector<576x1xf32> to vector<576x1024xf32>
    %sub3A_478 = arith.subf %sub3A_477, %mul3A_476 : vector<576x1024xf32>
    %add3A_479 = vector.broadcast %broadcast_in_dim3A : vector<1x1024xf32> to vector<576x1024xf32>
    %add3A_480 = arith.addf %sub3A_478, %add3A_479 : vector<576x1024xf32>
    %reduce_min3A_481 = arith.constant dense<0x7F800000> : vector<576xf32>
    %reduce_min3A_482 = vector.multi_reduction <minimumf>, %add3A_480, %reduce_min3A_481 [1] : vector<576x1024xf32> to vector<576xf32>
    %broadcast_in_dim3A_483 = vector.shape_cast %reduce_min3A_482 : vector<576xf32> to vector<576x1xf32>
    %eq3A_484 = vector.broadcast %broadcast_in_dim3A_483 : vector<576x1xf32> to vector<576x1024xf32>
    %eq3A_485 = arith.cmpf oeq, %add3A_480, %eq3A_484 : vector<576x1024xf32>
    %jit3A_486 = arith.constant 1.024000e+03 : f32
    %broadcast_in_dim3A_487 = vector.broadcast %jit3A_486 : f32 to vector<576x1024xf32>
    %select_n3A_488 = arith.select %eq3A_485, %convert_element_type3A, %broadcast_in_dim3A_487 : vector<576x1024xi1>, vector<576x1024xf32>
    %reduce_min3A_489 = arith.constant dense<0x7F800000> : vector<576xf32>
    %reduce_min3A_490 = vector.multi_reduction <minimumf>, %select_n3A_488, %reduce_min3A_489 [1] : vector<576x1024xf32> to vector<576xf32>
    %convert_element_type3A_491 = arith.fptosi %reduce_min3A_490 : vector<576xf32> to vector<576xi32>
    %swap3A_492 = arith.constant 0 : index
    %swap3A_493 = arith.constant 13 : index
    %swap3A_494 = arith.constant 0 : index
    %swap3A_495 = vector.load %arg5[%swap3A_492, %swap3A_493, %swap3A_494] : memref<1x16x576xi32, #tpu.memory_space<vmem>>, vector<1x1x576xi32>
    %swap3A_496 = vector.shape_cast %swap3A_495 : vector<1x1x576xi32> to vector<576xi32>
    %swap3A_497 = vector.shape_cast %convert_element_type3A_491 : vector<576xi32> to vector<1x1x576xi32>
    tpu.vector_store %arg5[%swap3A_492, %swap3A_493, %swap3A_494], %swap3A_497 {strides = array<i32>} : memref<1x16x576xi32, #tpu.memory_space<vmem>>, vector<1x1x576xi32>,
    %get3A_498 = arith.constant 14 : index
    %get3A_499 = arith.constant 0 : index
    %get3A_500 = arith.constant 0 : index
    %get3A_501 = vector.load %arg1[%get3A_498, %get3A_499, %get3A_500] : memref<16x64x576xf32, #tpu.memory_space<vmem>>, vector<1x64x576xf32>
    %get3A_502 = vector.shape_cast %get3A_501 : vector<1x64x576xf32> to vector<64x576xf32>
    %transpose3A_503 = tpu.transpose %get3A_502, [1, 0] : vector<64x576xf32> -> vector<576x64xf32>
    %dot_general3A_504 = arith.constant dense<0.000000e+00> : vector<576x1024xf32>
    %dot_general3A_505 = tpu.matmul %transpose3A_503, %get3A_1, %dot_general3A_504 {dimension_numbers = #tpu.dot_dimension_numbers<[1], [1], [0], [0], [0, 0, 1, 0], [], []>, transpose_lhs_hint = false} : vector<576x64xf32>, vector<1024x64xf32>, vector<576x1024xf32> -> vector<576x1024xf32>
    %mul3A_506 = arith.mulf %transpose3A_503, %transpose3A_503 : vector<576x64xf32>
    %reduce_sum3A_507 = arith.constant dense<0.000000e+00> : vector<576xf32>
    %reduce_sum3A_508 = vector.multi_reduction <add>, %mul3A_506, %reduce_sum3A_507 [1] : vector<576x64xf32> to vector<576xf32>
    %broadcast_in_dim3A_509 = vector.shape_cast %reduce_sum3A_508 : vector<576xf32> to vector<576x1xf32>
    %mul3A_510 = arith.constant 2.000000e+00 : f32
    %mul3A_511 = vector.broadcast %mul3A_510 : f32 to vector<576x1024xf32>
    %mul3A_512 = arith.mulf %mul3A_511, %dot_general3A_505 : vector<576x1024xf32>
    %sub3A_513 = vector.broadcast %broadcast_in_dim3A_509 : vector<576x1xf32> to vector<576x1024xf32>
    %sub3A_514 = arith.subf %sub3A_513, %mul3A_512 : vector<576x1024xf32>
    %add3A_515 = vector.broadcast %broadcast_in_dim3A : vector<1x1024xf32> to vector<576x1024xf32>
    %add3A_516 = arith.addf %sub3A_514, %add3A_515 : vector<576x1024xf32>
    %reduce_min3A_517 = arith.constant dense<0x7F800000> : vector<576xf32>
    %reduce_min3A_518 = vector.multi_reduction <minimumf>, %add3A_516, %reduce_min3A_517 [1] : vector<576x1024xf32> to vector<576xf32>
    %broadcast_in_dim3A_519 = vector.shape_cast %reduce_min3A_518 : vector<576xf32> to vector<576x1xf32>
    %eq3A_520 = vector.broadcast %broadcast_in_dim3A_519 : vector<576x1xf32> to vector<576x1024xf32>
    %eq3A_521 = arith.cmpf oeq, %add3A_516, %eq3A_520 : vector<576x1024xf32>
    %jit3A_522 = arith.constant 1.024000e+03 : f32
    %broadcast_in_dim3A_523 = vector.broadcast %jit3A_522 : f32 to vector<576x1024xf32>
    %select_n3A_524 = arith.select %eq3A_521, %convert_element_type3A, %broadcast_in_dim3A_523 : vector<576x1024xi1>, vector<576x1024xf32>
    %reduce_min3A_525 = arith.constant dense<0x7F800000> : vector<576xf32>
    %reduce_min3A_526 = vector.multi_reduction <minimumf>, %select_n3A_524, %reduce_min3A_525 [1] : vector<576x1024xf32> to vector<576xf32>
    %convert_element_type3A_527 = arith.fptosi %reduce_min3A_526 : vector<576xf32> to vector<576xi32>
    %swap3A_528 = arith.constant 0 : index
    %swap3A_529 = arith.constant 14 : index
    %swap3A_530 = arith.constant 0 : index
    %swap3A_531 = vector.load %arg5[%swap3A_528, %swap3A_529, %swap3A_530] : memref<1x16x576xi32, #tpu.memory_space<vmem>>, vector<1x1x576xi32>
    %swap3A_532 = vector.shape_cast %swap3A_531 : vector<1x1x576xi32> to vector<576xi32>
    %swap3A_533 = vector.shape_cast %convert_element_type3A_527 : vector<576xi32> to vector<1x1x576xi32>
    tpu.vector_store %arg5[%swap3A_528, %swap3A_529, %swap3A_530], %swap3A_533 {strides = array<i32>} : memref<1x16x576xi32, #tpu.memory_space<vmem>>, vector<1x1x576xi32>,
    %get3A_534 = arith.constant 15 : index
    %get3A_535 = arith.constant 0 : index
    %get3A_536 = arith.constant 0 : index
    %get3A_537 = vector.load %arg1[%get3A_534, %get3A_535, %get3A_536] : memref<16x64x576xf32, #tpu.memory_space<vmem>>, vector<1x64x576xf32>
    %get3A_538 = vector.shape_cast %get3A_537 : vector<1x64x576xf32> to vector<64x576xf32>
    %transpose3A_539 = tpu.transpose %get3A_538, [1, 0] : vector<64x576xf32> -> vector<576x64xf32>
    %dot_general3A_540 = arith.constant dense<0.000000e+00> : vector<576x1024xf32>
    %dot_general3A_541 = tpu.matmul %transpose3A_539, %get3A_1, %dot_general3A_540 {dimension_numbers = #tpu.dot_dimension_numbers<[1], [1], [0], [0], [0, 0, 1, 0], [], []>, transpose_lhs_hint = false} : vector<576x64xf32>, vector<1024x64xf32>, vector<576x1024xf32> -> vector<576x1024xf32>
    %mul3A_542 = arith.mulf %transpose3A_539, %transpose3A_539 : vector<576x64xf32>
    %reduce_sum3A_543 = arith.constant dense<0.000000e+00> : vector<576xf32>
    %reduce_sum3A_544 = vector.multi_reduction <add>, %mul3A_542, %reduce_sum3A_543 [1] : vector<576x64xf32> to vector<576xf32>
    %broadcast_in_dim3A_545 = vector.shape_cast %reduce_sum3A_544 : vector<576xf32> to vector<576x1xf32>
    %mul3A_546 = arith.constant 2.000000e+00 : f32
    %mul3A_547 = vector.broadcast %mul3A_546 : f32 to vector<576x1024xf32>
    %mul3A_548 = arith.mulf %mul3A_547, %dot_general3A_541 : vector<576x1024xf32>
    %sub3A_549 = vector.broadcast %broadcast_in_dim3A_545 : vector<576x1xf32> to vector<576x1024xf32>
    %sub3A_550 = arith.subf %sub3A_549, %mul3A_548 : vector<576x1024xf32>
    %add3A_551 = vector.broadcast %broadcast_in_dim3A : vector<1x1024xf32> to vector<576x1024xf32>
    %add3A_552 = arith.addf %sub3A_550, %add3A_551 : vector<576x1024xf32>
    %reduce_min3A_553 = arith.constant dense<0x7F800000> : vector<576xf32>
    %reduce_min3A_554 = vector.multi_reduction <minimumf>, %add3A_552, %reduce_min3A_553 [1] : vector<576x1024xf32> to vector<576xf32>
    %broadcast_in_dim3A_555 = vector.shape_cast %reduce_min3A_554 : vector<576xf32> to vector<576x1xf32>
    %eq3A_556 = vector.broadcast %broadcast_in_dim3A_555 : vector<576x1xf32> to vector<576x1024xf32>
    %eq3A_557 = arith.cmpf oeq, %add3A_552, %eq3A_556 : vector<576x1024xf32>
    %jit3A_558 = arith.constant 1.024000e+03 : f32
    %broadcast_in_dim3A_559 = vector.broadcast %jit3A_558 : f32 to vector<576x1024xf32>
    %select_n3A_560 = arith.select %eq3A_557, %convert_element_type3A, %broadcast_in_dim3A_559 : vector<576x1024xi1>, vector<576x1024xf32>
    %reduce_min3A_561 = arith.constant dense<0x7F800000> : vector<576xf32>
    %reduce_min3A_562 = vector.multi_reduction <minimumf>, %select_n3A_560, %reduce_min3A_561 [1] : vector<576x1024xf32> to vector<576xf32>
    %convert_element_type3A_563 = arith.fptosi %reduce_min3A_562 : vector<576xf32> to vector<576xi32>
    %swap3A_564 = arith.constant 0 : index
    %swap3A_565 = arith.constant 15 : index
    %swap3A_566 = arith.constant 0 : index
    %swap3A_567 = vector.load %arg5[%swap3A_564, %swap3A_565, %swap3A_566] : memref<1x16x576xi32, #tpu.memory_space<vmem>>, vector<1x1x576xi32>
    %swap3A_568 = vector.shape_cast %swap3A_567 : vector<1x1x576xi32> to vector<576xi32>
    %swap3A_569 = vector.shape_cast %convert_element_type3A_563 : vector<576xi32> to vector<1x1x576xi32>
    tpu.vector_store %arg5[%swap3A_564, %swap3A_565, %swap3A_566], %swap3A_569 {strides = array<i32>} : memref<1x16x576xi32, #tpu.memory_space<vmem>>, vector<1x1x576xi32>,
    %eq3A_570 = arith.constant 0 : i32
    %eq3A_571 = arith.cmpi eq, %arg0, %eq3A_570 : i32
    %convert_element_type3A_572 = arith.extui %eq3A_571 : i1 to i32
    %cond3A = arith.constant 0 : i32
    %cond3A_573 = arith.cmpi ne, %convert_element_type3A_572, %cond3A : i32
    scf.if %cond3A_573 {
      %get3A_574 = arith.constant 0 : index
      %get3A_575 = arith.constant 0 : index
      %get3A_576 = vector.load %arg3[%get3A_574, %get3A_575] : memref<64x64xf32, #tpu.memory_space<vmem>>, vector<64x64xf32>
      %dot_general3A_577 = arith.constant dense<0.000000e+00> : vector<1024x64xf32>
      %dot_general3A_578 = tpu.matmul %get3A_1, %get3A_576, %dot_general3A_577 {dimension_numbers = #tpu.dot_dimension_numbers<[1], [1], [0], [0], [0, 0, 1, 0], [], []>, transpose_lhs_hint = false} : vector<1024x64xf32>, vector<64x64xf32>, vector<1024x64xf32> -> vector<1024x64xf32>
      %get3A_579 = arith.constant 0 : index
      %get3A_580 = arith.constant 0 : index
      %get3A_581 = vector.load %arg4[%get3A_579, %get3A_580] : memref<1x64xf32, #tpu.memory_space<vmem>>, vector<1x64xf32>
      %add3A_582 = vector.broadcast %get3A_581 : vector<1x64xf32> to vector<1024x64xf32>
      %add3A_583 = arith.addf %dot_general3A_578, %add3A_582 : vector<1024x64xf32>
      %swap3A_584 = arith.constant 0 : index
      %swap3A_585 = arith.constant 0 : index
      %swap3A_586 = vector.load %arg6[%swap3A_584, %swap3A_585] : memref<1024x64xf32, #tpu.memory_space<vmem>>, vector<1024x64xf32>
      tpu.vector_store %arg6[%swap3A_584, %swap3A_585], %add3A_583 {strides = array<i32>} : memref<1024x64xf32, #tpu.memory_space<vmem>>, vector<1024x64xf32>,
    } else {
    }
    return
  }
  func.func @transform_0(%arg0: i32) -> (i32, i32, i32) {
    %c0_i32 = arith.constant 0 : i32
    %c0_i32_0 = arith.constant 0 : i32
    %c0_i32_1 = arith.constant 0 : i32
    return %arg0, %c0_i32, %c0_i32_0 : i32, i32, i32
  }
  func.func @transform_1(%arg0: i32) -> (i32, i32) {
    %c0_i32 = arith.constant 0 : i32
    %c0_i32_0 = arith.constant 0 : i32
    %c0_i32_1 = arith.constant 0 : i32
    return %c0_i32, %c0_i32_0 : i32, i32
  }
  func.func @transform_2(%arg0: i32) -> (i32, i32) {
    %c0_i32 = arith.constant 0 : i32
    %c0_i32_0 = arith.constant 0 : i32
    %c0_i32_1 = arith.constant 0 : i32
    return %c0_i32, %c0_i32_0 : i32, i32
  }
  func.func @transform_3(%arg0: i32) -> (i32, i32) {
    %c0_i32 = arith.constant 0 : i32
    %c0_i32_0 = arith.constant 0 : i32
    %c0_i32_1 = arith.constant 0 : i32
    return %c0_i32, %c0_i32_0 : i32, i32
  }
  func.func @transform_4(%arg0: i32) -> (i32, i32, i32) {
    %c0_i32 = arith.constant 0 : i32
    %c0_i32_0 = arith.constant 0 : i32
    %c0_i32_1 = arith.constant 0 : i32
    return %arg0, %c0_i32, %c0_i32_0 : i32, i32, i32
  }
  func.func @transform_5(%arg0: i32) -> (i32, i32) {
    %c0_i32 = arith.constant 0 : i32
    %c0_i32_0 = arith.constant 0 : i32
    %c0_i32_1 = arith.constant 0 : i32
    return %c0_i32, %c0_i32_0 : i32, i32
  }
}

</mosaic_0001>

<sc_bundles>
// kernel: kernel.4.cloned.1.call-start
scs
__scs_entry_jumppad:
0x0: {  	(pc) =	sbr.rel $0x88, $3  }
0x1: {  	(tag) =	ssettag $0x0;
	lr =	simm.s32 $0x1  }
0x2: {  	[smem:$0x3F9D] =	sst lr;
	_ =	strace $0xD0000000  }
0x3: {  	_ = 	snop  }
0x4: {  	_ = 	snop  }
0x5: {  	_ = 	snop  }
0x6: {  	_ = 	snop  }
0x7: {  	_ = 	snop  }
__scs_overlays_trampoline_lowered:
0x8: {  	[smem:$0x3FAC] =	sst s0  }
0x9: {  	[smem:$0x3FAD] =	sst s1  }
0xa: {  	[smem:$0x3FAE] =	sst s2  }
0xb: {  	[smem:$0x3FAF] =	sst s3  }
0xc: {  	[smem:$0x3FB0] =	sst s4  }
0xd: {  	[smem:$0x3FB1] =	sst s5  }
0xe: {  	[smem:$0x3FB2] =	sst s6  }
0xf: {  	[smem:$0x3FB3] =	sst s7  }
0x10: {  	[smem:$0x3FB4] =	sst s8  }
0x11: {  	[smem:$0x3FB5] =	sst s9;
	s0 =	simm.s32 @!p0 $0x0  }
0x12: {  	s1 =	sld [smem:$0x3F9B];
	s0 =	simm.s32 @p0 $0x1  }
0x13: {  	[smem:$0x3FB6] =	sst s0;
	s0 =	simm.s32 @!p1 $0x0  }
0x14: {  	s2 =	sld [smem:$0x3F9A];
	s0 =	simm.s32 @p1 $0x1  }
0x15: {  	[smem:$0x3FB7] =	sst s0;
	s0 =	simm.s32 @!p2 $0x0  }
0x16: {  	s3 =	sld [smem:$0x3FDB];
	s0 =	simm.s32 @p2 $0x1  }
0x17: {  	s4 =	simm.s32 $0x1BF5;
	[smem:$0x3FB9] =	sst s0  }
0x18: {  	s0 =	sld [smem:$0x3F9C];
	_ =	swait.ge [sflag:s4], $0x0  }
0x19: {  	s7 =	sld [smem:$0x3F9D]  }
0x1a: {  	s8 =	sadd.s32 $0xFFFFE003, lr  }
0x1b: {  	s9 =	sadd.s32 $0xFFFFFEF7, lr;
	s5 =	simm.s32 $0xFFFFFFFF;
	p2 =	slt.u32 s8, $0xFFFFF086  }
0x1c: {  	p1 =	slt.u32 s9, $0xF7A;
	s5 =	simm.s32 @!p2 $0x0  }
0x1d: {  	s5 =	simm.s32 @p1 $0x1;
	p0 =	seq.s32 s7, s2  }
0x1e: {  	s7 =	smul.u32 @!p0 $0xF7A, s2;
	p2 =	seq.s32 @!p0 s5, $0x0  }
0x1f: {  	s9 =	smul.u32 $0xF7A, s1;
	s8 =	simm.s32 @!p0 $0x1BF5;
	p2 =	por !p2, p0  }
0x20: {  	[sflag:s8] =	ssyncset.s32 @!p0 $0xFFFFF086;
	s6 =	sadd.s32 @!p0 s3, s7;
	s7 =	simm.s32 @!p0 $0x108  }
0x21: {  	s3 =	sadd.s32 s3, s9;
	s6 =	sadd.s32 @!p0 $0x88, s6;
	s7 =	simm.s32 @p2 $0x1082  }
0x22: {  	[simem:s7], [sflag:s8] =	dma.local @!p0 [hbm:s6], $0xF7A  }
0x23: {  	s9 =	sor.u32 $0xD0000000, s2;
	s6 =	simm.s32 $0x108;
	_ =	swait.ge @!p0 [sflag:s8], $0x0  }
0x24: {  	s3 =	sadd.s32 $0x88, s3;
	s6 =	simm.s32 @!p1 $0x1082;
	[sflag:s4] =	ssyncset.s32 $0xFFFFF086  }
0x25: {  	[simem:s6], [sflag:s4] =	dma.local [hbm:s3], $0xF7A  }
0x26: {  	[smem:$0x3F9D] =	sst s1;
	(tag) =	ssettag s2;
	_ =	strace s9  }
0x27: {  	s1 =	sld [smem:$0x3FAD]  }
0x28: {  	s2 =	sld [smem:$0x3FAE]  }
0x29: {  	s4 =	sld [smem:$0x3FB0]  }
0x2a: {  	p0 =	seq.s32 s5, $0x0;
	s5 =	sld [smem:$0x3FB1]  }
0x2b: {  	s6 =	sld [smem:$0x3FB2]  }
0x2c: {  	s7 =	sld [smem:$0x3FB3]  }
0x2d: {  	s3 =	simm.s32 $0x108;
	s8 =	sld [smem:$0x3FB4]  }
0x2e: {  	s3 =	simm.s32 @!p0 $0x1082;
	s9 =	sld [smem:$0x3FB5]  }
0x2f: {  	lr =	sadd.s32 s0, s3;
	s0 =	sld [smem:$0x3FAC]  }
0x30: {  	s3 =	sld [smem:$0x3FAF]  }
0x31: {  	[smem:$0x3FB8] =	sst s10  }
0x32: {  	s10 =	sld [smem:$0x3FB6];
	_ =	sdelay $0x3  }
0x33: {  	p0 =	seq.s32 s10, $0x1;
	s10 =	sld [smem:$0x3FB8];
	_ =	sdelay $0x3  }
0x34: {  	[smem:$0x3FB8] =	sst s10  }
0x35: {  	s10 =	sld [smem:$0x3FB7];
	_ =	sdelay $0x3  }
0x36: {  	p1 =	seq.s32 s10, $0x1;
	s10 =	sld [smem:$0x3FB8];
	_ =	sdelay $0x3  }
0x37: {  	[smem:$0x3FB8] =	sst s10  }
0x38: {  	s10 =	sld [smem:$0x3FB9]  }
0x39: {  	_ = 	snop;
	(pc) =	sbr.ind lr, $3  }
0x3a: {  	_ = 	snop  }
0x3b: {  	_ = 	snop  }
0x3c: {  	p2 =	seq.s32 s10, $0x1;
	s10 =	sld [smem:$0x3FB8]  }
0x3d: {  	_ =	shalt  }
0x3e: {  	_ =	shalt  }
0x3f: {  	_ =	shalt  }
0x40: {  	_ =	shalt  }
0x41: {  	_ =	shalt  }
0x42: {  	_ =	shalt  }
0x43: {  	_ =	shalt  }
0x44: {  	_ =	shalt  }
0x45: {  	_ =	shalt  }
0x46: {  	_ =	shalt  }
0x47: {  	_ =	shalt  }
0x48: {  	_ =	shalt  }
0x49: {  	_ =	shalt  }
0x4a: {  	_ =	shalt  }
0x4b: {  	_ =	shalt  }
0x4c: {  	_ =	shalt  }
0x4d: {  	_ =	shalt  }
0x4e: {  	_ =	shalt  }
0x4f: {  	_ =	shalt  }
0x50: {  	_ =	shalt  }
0x51: {  	_ =	shalt  }
0x52: {  	_ =	shalt  }
0x53: {  	_ =	shalt  }
0x54: {  	_ =	shalt  }
0x55: {  	_ =	shalt  }
0x56: {  	_ =	shalt  }
0x57: {  	_ =	shalt  }
0x58: {  	_ =	shalt  }
0x59: {  	_ =	shalt  }
0x5a: {  	_ =	shalt  }
0x5b: {  	_ =	shalt  }
0x5c: {  	_ =	shalt  }
0x5d: {  	_ =	shalt  }
0x5e: {  	_ =	shalt  }
0x5f: {  	_ =	shalt  }
0x60: {  	_ =	shalt  }
0x61: {  	_ =	shalt  }
0x62: {  	_ =	shalt  }
0x63: {  	_ =	shalt  }
0x64: {  	_ =	shalt  }
0x65: {  	_ =	shalt  }
0x66: {  	_ =	shalt  }
0x67: {  	_ =	shalt  }
0x68: {  	_ =	shalt  }
0x69: {  	_ =	shalt  }
0x6a: {  	_ =	shalt  }
0x6b: {  	_ =	shalt  }
0x6c: {  	_ =	shalt  }
0x6d: {  	_ =	shalt  }
0x6e: {  	_ =	shalt  }
0x6f: {  	_ =	shalt  }
0x70: {  	_ =	shalt  }
0x71: {  	_ =	shalt  }
0x72: {  	_ =	shalt  }
0x73: {  	_ =	shalt  }
0x74: {  	_ =	shalt  }
0x75: {  	_ =	shalt  }
0x76: {  	_ =	shalt  }
0x77: {  	_ =	shalt  }
0x78: {  	_ =	shalt  }
0x79: {  	_ =	shalt  }
0x7a: {  	_ =	shalt  }
0x7b: {  	_ =	shalt  }
0x7c: {  	_ =	shalt  }
0x7d: {  	_ =	shalt  }
0x7e: {  	_ =	shalt  }
0x7f: {  	_ =	shalt  }
0x80: {  	_ =	shalt  }
0x81: {  	_ =	shalt  }
0x82: {  	_ =	shalt  }
0x83: {  	_ =	shalt  }
0x84: {  	_ =	shalt  }
0x85: {  	_ =	shalt  }
0x86: {  	_ =	shalt  }
0x87: {  	_ =	shalt  }
.Lfunc_end0:
.L_simem_size_0:
called_computation_lowered:
.L_overlay_start_0:
0x88: {  	s2 =	sld [smem:$0x3FD9]  }
0x89: {  	s3 =	sld [smem:$0x3FFE];
	_ =	sdelay $0x1  }
0x8a: {  	s1 =	srdreg.scid  }
0x8b: {  	s0 =	sand.u32 $0x1, s1  }
0x8c: {  	s17 =	sshll.u32 s0, $0xA;
	s2 =	sadd.s32 s3, s2  }
0x8d: {  	s2 =	sadd.s32 s2, s17  }
0x8e: {  	[smem:$0x3FC4] =	sst s2  }
0x8f: {  	_ = 	snop  }
0x90: {  	s2 =	sld [smem:$0x3FD0];
	(tm) =	ssettm $0x1  }
0x91: {  	s18 =	sld [smem:$0x3FFB];
	_ =	sdelay $0x3  }
0x92: {  	_ =	strace s18  }
0x93: {  	s3 =	sld [smem:$0x3FFC];
	_ =	sdelay $0x3  }
0x94: {  	_ =	strace s3  }
0x95: {  	s3 =	sld [smem:$0x3FFD];
	_ =	sdelay $0x3  }
0x96: {  	_ =	strace s3  }
0x97: {  	_ =	strace $0x8FFFFFFF  }
0x98: {  	s19 =	sld [smem:$0x3FDB];
	_ =	sdelay $0x1  }
0x99: {  	s4 =	simm.s32 $_scs_section_size  }
0x9a: {  	s5 =	simm.s32 $_size__tile_overlayer_lowered;
	s6 =	simm.s32 $_tile_overlayer_lowered  }
0x9b: {  	s22 =	simm.s32 $0x1BFF;
	s21 =	sshll.u32 s6, $0x1;
	s3 =	sadd.s32 s4, s19  }
0x9c: {  	s7 =	simm.s32 $0x0;
	s20 =	sshll.u32 s5, $0x1;
	s5 =	sadd.s32 s21, s3  }
0x9d: {  	[timem:s7], [sflag:s22] =	dma.local [hbm:s5], s20  }
0x9e: {  	_ =	swait.ge [sflag:s22], s20  }
0x9f: {  	s4 =	ssub.s32 $0x0, s20;
	[sflag:s22] =	ssyncset.done $0x0  }
0xa0: {  	[sflag:s22] =	ssyncadd.s32 s4;
	_ =	sdelay $0x1  }
0xa1: {  	s23 =	simm.s32 $0x1B8B  }
0xa2: {  	_ =	swait.ge [sflag:s23], $0x1  }
0xa3: {  	[sflag:s23] =	ssyncset.done $0x0  }
0xa4: {  	s25 =	simm.s32 $0x1B8E;
	s24 =	sld [smem:$0x3FFE];
	[sflag:s23] =	ssyncadd.s32 $0xFFFFFFFF  }
0xa5: {  	s26 =	simm.s32 $execute0_lowered;
	[smem:$0x3FD2] =	sst s25  }
0xa6: {  	s5 =	sshll.u32 s26, $0x1;
	_ =	strace $0x80000046;
	[dreg:$0x1] =	wrdreg $0xFFFFFFFF  }
0xa7: {  	s28 =	simm.s32 $_size_execute0_lowered;
	s3 =	sadd.s32 s3, s5;
	[dreg:$0x0] =	wrdreg $0x0  }
0xa8: {  	s5 =	sshll.u32 s28, $0x1;
	[dreg:$0x2] =	wrdreg s3  }
0xa9: {  	[dreg:$0x3] =	wrdreg s5  }
0xaa: {  	[dreg:$0x4] =	wrdreg $0xC0  }
0xab: {  	_ =	task [dreg:s7], $0x5FFFF  }
0xac: {  	[dreg:$0x1] =	wrdreg $0xFFFFFFFF  }
0xad: {  	[dreg:$0x0] =	wrdreg $0x60  }
0xae: {  	[dreg:$0x2] =	wrdreg s24  }
0xaf: {  	[dreg:$0x3] =	wrdreg s2  }
0xb0: {  	[dreg:$0x4] =	wrdreg $0x9  }
0xb1: {  	_ =	task.clear_ibuf [dreg:s7], $0x5FFFF;
	_ =	strace $0x90000046  }
0xb2: {  	s29 =	simm.s32 $0x9;
	_ =	strace $0x80000048  }
0xb3: {  	_ =	swait.ge [sflag:s29], $0x1  }
0xb4: {  	[sflag:s29] =	ssyncadd.s32 $0xFFFFFFFF  }
0xb5: {  	_ =	strace $0x90000048  }
0xb6: {  	_ =	sfence  }
0xb7: {  	s30 =	sld [smem:$0x0];
	_ =	sdelay $0x2  }
0xb8: {  	s31 =	sshll.u32 s1, $0xD;
	s1 =	sshrl.u32 s1, $0x2  }
0xb9: {  	s3 =	sand.u32 $0x4000, s31;
	s1 =	sadd.s32 s1, s30  }
0xba: {  	s0 =	sor.u32 s3, s0;
	s1 =	sshll.u32 s1, $0x11  }
0xbb: {  	s0 =	sor.u32 s1, s0  }
0xbc: {  	s0 =	sadd.s32 $0x8F2B, s0  }
0xbd: {  	[sflag:s0] =	ssyncadd.remote.s32 $0x1  }
0xbe: {  	_ =	sfence.sel $0xFFFF  }
0xbf: {  	[dreg:$0x0] =	wrdreg $0xFFFFFFFF;
	(pc) =	sbr.abs _section_cstart, $3  }
0xc0: {  	[dreg:$0x1] =	wrdreg $0xFFFFFFFF  }
0xc1: {  	_ =	task.clear_ibuf [dreg:s7], $0x2FFFF;
	_ =	strace $0x9FFFFFFF  }
0xc2: {  	(tm) =	ssettm $0x7FFFFFFF  }
0xc3: {  	_ =	shalt  }
tec
execute0_lowered:
.L_overlay_start_1:
0x0: {  	(tag) =	ssettag $0x1  }
0x1: {  	s1 =	srdreg.scid;
	s0 =	stileid.u32  }
0x2: {  	s14 =	sand.u32 $0x1, s1;
	s30 =	sshll.u32 s0, $0x1  }
0x3: {  	s5 =	rddreg [dreg:$0x0];
	s13 =	sor.u32 s14, s30  }
0x4: {  	s15 =	rddreg [dreg:$0x1];
	s3 =	smul.u32 $0x24, s13  }
0x5: {  	s2 =	simm.s32 $0x0;
	s1 =	rddreg [dreg:$0x2]  }
0x6: {  	[smem:$0x7FF] =	sst s2;
	s3 =	sadd.s32 s3, s5  }
0x7: {  	_ =	strace $0x80000047;
	s4 =	sadd.s32 $0x2C00, s3;
	s3 =	simm.s32 $0x2  }
0x8: {  	[tilespmem:s2], [sflag:$0x2] =	stream.linear.gather [hbm4b:s4+s2], $0x120, $0x38;
	[tilespmem:$0x4920] =	vst v63  }
0x9: {  	_ =	swait.ge [sflag:s3], $0x120  }
0xa: {  	s6 =	simm.s32 $0x60;
	[sflag:s3] =	ssyncset.done $0x0  }
0xb: {  	s7 =	simm.s32 $0x120;
	s5 =	sadd.s32 $0xC00, s5;
	[sflag:s3] =	ssyncadd.s32 $0xFFFFFEE0  }
0xc: {  	[tilespmem:s7], [sflag:$0x1] =	stream.indirect.gather [hbm4b:s5+s6], $0x40, s2, s6, $0xb8;
	[tilespmem:$0x4920] =	vst v63  }
0xd: {  	s8 =	simm.s32 $0x1920  }
0xe: {  	[tilespmem:s8], [sflag:$0x1] =	stream.indirect.gather [hbm4b:s5+s6], $0x40, s6, s6, $0xb8;
	[tilespmem:$0x4920] =	vst v63  }
0xf: {  	s9 =	simm.s32 $0xC0;
	s10 =	simm.s32 $0x3120;
	s11 =	simm.s32 $0x1  }
0x10: {  	[tilespmem:s10], [sflag:$0x1] =	stream.indirect.gather [hbm4b:s5+s6], $0x40, s9, s6, $0xb8;
	[tilespmem:$0x4920] =	vst v63  }
0x11: {  	s12 =	smul.u32 $0x900, s13;
	_ =	swait.ge [sflag:s11], $0x1800  }
0x12: {  	[sflag:s11] =	ssyncset.done $0x0  }
0x13: {  	s12 =	sadd.s32 s15, s12;
	[sflag:s11] =	ssyncadd.s32 $0xFFFFE800  }
0x14: {  	[hbm4b:s12+s2] =	stream.linear.scatter [tilespmem:s7], [sflag:$0x2], $0x1800, $0x38;
	[tilespmem:$0x4920] =	vst v63  }
0x15: {  	_ =	swait.ge [sflag:s3], $0x1800  }
0x16: {  	s13 =	smul.u32 $0x4800, s13;
	[sflag:s3] =	ssyncset.done $0x0  }
0x17: {  	[sflag:s3] =	ssyncadd.s32 $0xFFFFE800  }
0x18: {  	s13 =	sshrl.u32 s13, $0x3;
	_ =	swait.ge [sflag:s11], $0x1800  }
0x19: {  	s15 =	sadd.s32 s15, s13;
	[sflag:s11] =	ssyncset.done $0x0  }
0x1a: {  	s14 =	ssub.s32 $0x2, s14;
	s13 =	sadd.s32 $0x300, s15;
	[sflag:s11] =	ssyncadd.s32 $0xFFFFE800  }
0x1b: {  	[hbm4b:s13+s2] =	stream.linear.scatter [tilespmem:s8], [sflag:$0x2], $0x1800, $0x38;
	[tilespmem:$0x4920] =	vst v63  }
0x1c: {  	s16 =	sshrl.u32 s14, $0x1;
	_ =	swait.ge [sflag:s3], $0x1800  }
0x1d: {  	s16 =	ssub.s32 s14, s16;
	[sflag:s3] =	ssyncset.done $0x0  }
0x1e: {  	s31 =	smax.u32 s16, $0x1;
	[sflag:s3] =	ssyncadd.s32 $0xFFFFE800  }
0x1f: {  	p0 =	sne.s32 s31, $0x1;
	_ =	swait.ge [sflag:s11], $0x1800  }
.Ltmp0:
0x20: {  	[sflag:s11] =	ssyncset.done $0x0;
	(pc) =	sbr.rel @!p0 .LBB2_2-.Ltmp0, $4  }
0x21: {  	s14 =	sadd.s32 $0x600, s15;
	[sflag:s11] =	ssyncadd.s32 $0xFFFFE800  }
0x22: {  	[hbm4b:s14+s2] =	stream.linear.scatter [tilespmem:s10], [sflag:$0x2], $0x1800, $0x38;
	[tilespmem:$0x4920] =	vst v63  }
0x23: {  	_ =	swait.ge [sflag:s3], $0x1800  }
0x24: {  	s15 =	sadd.s32 $0xFFFFFFFF, s31;
	[sflag:s3] =	ssyncset.done $0x0  }
.LBB2_1:
0x25: {  	p0 =	sne.s32 s15, $0x1;
	s15 =	sadd.s32 $0xFFFFFFFF, s15;
	[sflag:s3] =	ssyncadd.s32 $0xFFFFE800  }
0x26: {  	[tilespmem:s2], [sflag:$0x2] =	stream.linear.gather [hbm4b:s4+s2], $0x120, $0x38;
	[tilespmem:$0x4920] =	vst v63  }
0x27: {  	_ =	swait.ge [sflag:s3], $0x120  }
0x28: {  	[sflag:s3] =	ssyncset.done $0x0  }
0x29: {  	[sflag:s3] =	ssyncadd.s32 $0xFFFFFEE0  }
0x2a: {  	[tilespmem:s7], [sflag:$0x1] =	stream.indirect.gather [hbm4b:s5+s6], $0x40, s2, s6, $0xb8;
	[tilespmem:$0x4920] =	vst v63  }
0x2b: {  	_ = 	snop  }
0x2c: {  	[tilespmem:s8], [sflag:$0x1] =	stream.indirect.gather [hbm4b:s5+s6], $0x40, s6, s6, $0xb8;
	[tilespmem:$0x4920] =	vst v63  }
0x2d: {  	_ = 	snop  }
0x2e: {  	[tilespmem:s10], [sflag:$0x1] =	stream.indirect.gather [hbm4b:s5+s6], $0x40, s9, s6, $0xb8;
	[tilespmem:$0x4920] =	vst v63  }
0x2f: {  	_ =	swait.ge [sflag:s11], $0x1800  }
0x30: {  	[sflag:s11] =	ssyncset.done $0x0  }
0x31: {  	[sflag:s11] =	ssyncadd.s32 $0xFFFFE800  }
0x32: {  	[hbm4b:s12+s2] =	stream.linear.scatter [tilespmem:s7], [sflag:$0x2], $0x1800, $0x38;
	[tilespmem:$0x4920] =	vst v63  }
0x33: {  	_ =	swait.ge [sflag:s3], $0x1800  }
0x34: {  	[sflag:s3] =	ssyncset.done $0x0  }
0x35: {  	[sflag:s3] =	ssyncadd.s32 $0xFFFFE800  }
0x36: {  	_ =	swait.ge [sflag:s11], $0x1800  }
0x37: {  	[sflag:s11] =	ssyncset.done $0x0  }
0x38: {  	[sflag:s11] =	ssyncadd.s32 $0xFFFFE800  }
0x39: {  	[hbm4b:s13+s2] =	stream.linear.scatter [tilespmem:s8], [sflag:$0x2], $0x1800, $0x38;
	[tilespmem:$0x4920] =	vst v63  }
0x3a: {  	_ =	swait.ge [sflag:s3], $0x1800  }
0x3b: {  	[sflag:s3] =	ssyncset.done $0x0  }
0x3c: {  	[sflag:s3] =	ssyncadd.s32 $0xFFFFE800  }
0x3d: {  	_ =	swait.ge [sflag:s11], $0x1800  }
.Ltmp1:
0x3e: {  	[sflag:s11] =	ssyncset.done $0x0;
	(pc) =	sbr.rel @p0 .LBB2_1-.Ltmp1, $4  }
0x3f: {  	[sflag:s11] =	ssyncadd.s32 $0xFFFFE800  }
0x40: {  	[hbm4b:s14+s2] =	stream.linear.scatter [tilespmem:s10], [sflag:$0x2], $0x1800, $0x38;
	[tilespmem:$0x4920] =	vst v63  }
0x41: {  	_ =	swait.ge [sflag:s3], $0x1800  }
0x42: {  	[sflag:s3] =	ssyncset.done $0x0  }
.LBB2_2:
0x43: {  	[sflag:s3] =	ssyncadd.s32 $0xFFFFE800  }
0x44: {  	_ =	sfence.sel $0x180000  }
0x45: {  	[bflag:$0x0] =	sbarrier.arrive $0xFFFF  }
0x46: {  	p0 =	sne.s32 s0, $0x0;
	_ =	strace $0x90000047  }
0x47: {  	s0 =	sadd.s32 @!p0 $0x100000, s1;
	[bflag:$0x2] =	sbarrier.arrive $0xFFFF  }
0x48: {  	[sflag:s0] =	ssyncadd.tile.s32 @!p0 $0x1;
	_ =	shalt  }
.Lfunc_end2:
_tile_overlayer_lowered:
.L_overlay_start_2:
0x49: {  	(tag) =	ssettag $0x2  }
0x4a: {  	s0 =	rddreg [dreg:$0x0];
	s2 =	stileid.u32  }
0x4b: {  	s1 =	rddreg [dreg:$0x1];
	p0 =	sne.s32 s2, $0x0  }
0x4c: {  	s3 =	rddreg [dreg:$0x2];
	[bflag:$0x3] =	sbarrier.arrive $0xFFFF;
	s2 =	simm.s32 @!p0 $0x1C02  }
0x4d: {  	[timem:s3], [sflag:s2] =	dma.local @!p0 [hbm:s0], s1  }
0x4e: {  	s0 =	simm.s32 @!p0 $0x2  }
0x4f: {  	_ =	swait.ge @!p0 [sflag:s0], s1  }
0x50: {  	s1 =	ssub.s32 @!p0 $0x0, s1;
	[sflag:s0] =	ssyncset.done @!p0 $0x0  }
0x51: {  	[sflag:s0] =	ssyncadd.s32 @!p0 s1  }
0x52: {  	[bflag:$0x3] =	sbarrier.arrive $0xFFFF  }
0x53: {  	_ =	shalt  }

</sc_bundles>
